<compile_context>
chip_gen: v7x
topology: tpu7x:2x2x1
jax: 0.10.2.dev20260603
libtpu: 0.0.44.dev20260713+nightly
codegen_flags: <defaults>
</compile_context>

<pallas_src>
import functools

import jax
import jax.numpy as jnp
from jax import lax
from jax.experimental import pallas as pl
from jax.experimental.pallas import tpu as pltpu

_N = 16384
_SIDE = 128
_NUP = _N // 4
_M = 7
_BIG_I = 2**30


def _r2(op, x):
    return op(op(x, axis=0, keepdims=True), axis=1, keepdims=True)


def _fps_kernel(px_ref, py_ref, pz_ref, idx_ref, dmin_ref):
    px = px_ref[...]
    py = py_ref[...]
    pz = pz_ref[...]
    ir = lax.broadcasted_iota(jnp.int32, (_SIDE, _SIDE), 0)
    ic = lax.broadcasted_iota(jnp.int32, (_SIDE, _SIDE), 1)
    flat = ir * _SIDE + ic

    def argmax2d(d):
        dd, ii = d, flat
        rows = _SIDE
        while rows > 1:
            h = rows // 2
            t = (dd[:h] > dd[h:]) | ((dd[:h] == dd[h:]) & (ii[:h] < ii[h:]))
            dd = jnp.where(t, dd[:h], dd[h:])
            ii = jnp.where(t, ii[:h], ii[h:])
            rows = h
        m = jnp.max(dd, axis=1, keepdims=True)
        ist = jnp.min(jnp.where(dd == m, ii, _BIG_I), axis=1, keepdims=True)
        return ist

    def dist_to(eq):
        xb = _r2(jnp.sum, jnp.where(eq, px, 0.0))
        yb = _r2(jnp.sum, jnp.where(eq, py, 0.0))
        zb = _r2(jnp.sum, jnp.where(eq, pz, 0.0))
        dx = px - xb
        dy = py - yb
        dz = pz - zb
        return (dx * dx + dy * dy) + dz * dz

    idx_ref[0:1, 0:1] = jnp.zeros((1, 1), jnp.int32)
    dmin_ref[...] = dist_to(flat == 0)

    def body(i, _):
        ist = argmax2d(dmin_ref[...])
        idx_ref[pl.ds(i, 1), 0:1] = ist
        dmin_ref[...] = jnp.minimum(dmin_ref[...], dist_to(flat == ist))
        return 0

    lax.fori_loop(1, _NUP, body, 0)


def _fps_indices(px2, py2, pz2):
    return pl.pallas_call(
        _fps_kernel,
        out_shape=jax.ShapeDtypeStruct((_NUP, 1), jnp.int32),
        scratch_shapes=[pltpu.VMEM((_SIDE, _SIDE), jnp.float32)],
    )(px2, py2, pz2)


def _knn_kernel(u_ref, c_ref, dist_ref, idx_ref, *, rows, cols, exclude_self):
    ux = u_ref[:, 0:1]
    uy = u_ref[:, 1:2]
    uz = u_ref[:, 2:3]
    cx = c_ref[0:1, :]
    cy = c_ref[1:2, :]
    cz = c_ref[2:3, :]
    aa = (ux * ux + uy * uy) + uz * uz
    bb = (cx * cx + cy * cy) + cz * cz
    def _b(v):
        return v.astype(jnp.bfloat16).astype(jnp.float32)
    ab = (_b(ux) * _b(cx) + _b(uy) * _b(cy)) + _b(uz) * _b(cz)
    d2 = (aa - 2.0 * ab) + bb
    colio = lax.broadcasted_iota(jnp.int32, (rows, cols), 1)
    if exclude_self:
        rowio = lax.broadcasted_iota(jnp.int32, (rows, cols), 0)
        d2 = jnp.where(colio == rowio + pl.program_id(0) * rows, jnp.inf, d2)
    for k in range(_M):
        m = jnp.min(d2, axis=1, keepdims=True)
        im = jnp.min(jnp.where(d2 == m, colio, _BIG_I), axis=1, keepdims=True)
        dist_ref[:, k:k + 1] = m
        idx_ref[:, k:k + 1] = im
        if k < _M - 1:
            d2 = jnp.where(colio == im, jnp.inf, d2)
    dist_ref[:, _M:_M + 1] = jnp.zeros((rows, 1), jnp.float32)
    idx_ref[:, _M:_M + 1] = jnp.zeros((rows, 1), jnp.int32)


def _knn(u8, c8, rows, exclude_self):
    nu, cols = u8.shape[0], c8.shape[1]
    dist, idx = pl.pallas_call(
        functools.partial(_knn_kernel, rows=rows, cols=cols,
                          exclude_self=exclude_self),
        grid=(nu // rows,),
        in_specs=[
            pl.BlockSpec((rows, 8), lambda i: (i, 0)),
            pl.BlockSpec((8, cols), lambda i: (0, 0)),
        ],
        out_specs=[
            pl.BlockSpec((rows, 8), lambda i: (i, 0)),
            pl.BlockSpec((rows, 8), lambda i: (i, 0)),
        ],
        out_shape=[
            jax.ShapeDtypeStruct((nu, 8), jnp.float32),
            jax.ShapeDtypeStruct((nu, 8), jnp.int32),
        ],
    )(u8, c8)
    return dist[:, :_M], idx[:, :_M]


def kernel(pos_hits_xyz, feat):
    pos = pos_hits_xyz
    px2 = pos[:, 0].reshape(_SIDE, _SIDE)
    py2 = pos[:, 1].reshape(_SIDE, _SIDE)
    pz2 = pos[:, 2].reshape(_SIDE, _SIDE)

    centroids = _fps_indices(px2, py2, pz2).reshape(-1)
    center = jnp.zeros((_N,), jnp.float32).at[centroids].set(1.0)
    maski = center.astype(jnp.int32)

    cs = jnp.cumsum(maski)
    ranks = jnp.where(maski == 1, cs - 1,
                      _NUP + jnp.arange(_N, dtype=jnp.int32) - cs)
    order = jnp.zeros((_N,), jnp.int32).at[ranks].set(
        jnp.arange(_N, dtype=jnp.int32))
    nodes_up = order[:_NUP]
    nodes_down = order[_NUP:]
    up = jnp.take(pos, nodes_up, axis=0)
    down = jnp.take(pos, nodes_down, axis=0)

    u8 = jnp.pad(up, ((0, 0), (0, 5)))
    c8_down = jnp.pad(down.T, ((0, 5), (0, 0)))
    c8_up = jnp.pad(up.T, ((0, 5), (0, 0)))

    ndist, nidx = _knn(u8, c8_down, rows=256, exclude_self=False)
    _, uidx = _knn(u8, c8_up, rows=256, exclude_self=True)

    j = jnp.take(nodes_down, nidx.reshape(-1)).astype(jnp.int64)
    i = jnp.repeat(nodes_up, _M).astype(jnp.int64)
    edge_src_up = uidx.reshape(-1).astype(jnp.int64)
    edge_dst_up = jnp.repeat(jnp.arange(_NUP), _M).astype(jnp.int64)

    return (j, i, pos, center, feat, edge_src_up, edge_dst_up, ndist)

# --- scband reference (transcript-rebuilt; emitter-appended) ---
"""Pipeline reference for scband-knngraph-builder-50766513438988 (READ-ONLY COPY).

The authoritative reference and input builder live on the scoring server;
editing this copy changes nothing except your own understanding.
"""

import jax, jax.numpy as jnp
import numpy as np

N = 16384
D_FEAT = 128
M = 7


def setup_inputs(seed: int = 0):
    key = jax.random.key(seed)
    k1, k2 = jax.random.split(key)
    pos = jax.random.normal(k1, (N, 3), dtype=jnp.float32)
    feat = jax.random.normal(k2, (N, D_FEAT), dtype=jnp.float32)
    return {"pos_hits_xyz": pos, "feat": feat}


def farthest_point_sampler(pos, n_points):
    # iterative FPS, first centroid is node 0 (matches dgl.geometry.farthest_point_sampler default start behavior)
    dist = jnp.sum((pos - pos[0]) ** 2, axis=-1)
    indices = jnp.zeros((n_points,), dtype=jnp.int32)

    def body(i, carry):
        d_min, idxs = carry
        nxt = jnp.argmax(d_min).astype(jnp.int32)
        idxs = idxs.at[i].set(nxt)
        d_new = jnp.sum((pos - pos[nxt]) ** 2, axis=-1)
        d_min = jnp.minimum(d_min, d_new)
        return (d_min, idxs)

    _, indices = jax.lax.fori_loop(1, n_points, body, (dist, indices))
    return indices


def _pairwise_sq_dist(a, b):
    return (jnp.sum(a * a, axis=1, keepdims=True)
            - 2.0 * (a @ b.T)
            + jnp.sum(b * b, axis=1)[None, :])


def reference(pos_hits_xyz, feat):
    n = pos_hits_xyz.shape[0]
    n_points = int(np.floor(n * 0.25))

    # farthest point sampling -> centroid mask
    centroids = farthest_point_sampler(pos_hits_xyz, n_points)
    center = jnp.zeros((n,), dtype=jnp.float32).at[centroids].set(1.0)
    mask = center.astype(bool)

    order = jnp.argsort(~mask, stable=True)
    nodes_up = order[:n_points]      # centroid node ids (n_points,)
    nodes_down = order[n_points:]    # non-centroid node ids (n - n_points,)

    up = pos_hits_xyz[nodes_up]
    down = pos_hits_xyz[nodes_down]

    # directional kNN: for every up node, M nearest down nodes (torch_cmspepr.select_knn_directional)
    d2 = _pairwise_sq_dist(up, down)
    neg_d, neigh_indices = jax.lax.top_k(-d2, M)
    neigh_dist_sq = -neg_d

    j = nodes_down[neigh_indices].reshape(-1).astype(jnp.int64)          # edge sources (down nodes)
    i = jnp.repeat(nodes_up, M).astype(jnp.int64)                        # edge destinations (up nodes)

    # kNN graph among centroids only (torch_cmspepr.knn_graph, k=7, no self loops)
    du = _pairwise_sq_dist(up, up)
    du = du + jnp.where(jnp.eye(up.shape[0], dtype=bool), jnp.inf, 0.0)
    _, up_neigh = jax.lax.top_k(-du, M)
    edge_src_up = up_neigh.reshape(-1).astype(jnp.int64)
    edge_dst_up = jnp.repeat(jnp.arange(up.shape[0]), M).astype(jnp.int64)

    # return edge lists + node data that the dgl graphs would carry
    return (j, i, pos_hits_xyz, center, feat, edge_src_up, edge_dst_up, neigh_dist_sq)

if __name__ == "__main__":
    import jax
    _d = setup_inputs()
    print(jax.jit(kernel)(*tuple(_d.values())))

</pallas_src>

<mosaic_0001>
module attributes {stable_mosaic.version = 14 : i64} {
  func.func @_fps_kernel(%arg0: memref<128x128xf32, #tpu.memory_space<vmem>>, %arg1: memref<128x128xf32, #tpu.memory_space<vmem>>, %arg2: memref<128x128xf32, #tpu.memory_space<vmem>>, %arg3: memref<4096x1xi32, #tpu.memory_space<vmem>>, %arg4: memref<128x128xf32, #tpu.memory_space<vmem>>) attributes {dimension_semantics = [], scalar_prefetch = 0 : i64, scratch_operands = 1 : i64, tpu.core_type = #tpu.core_type<tc>} {
    %get3A = arith.constant 0 : index
    %get3A_0 = arith.constant 0 : index
    %get3A_1 = vector.load %arg0[%get3A, %get3A_0] : memref<128x128xf32, #tpu.memory_space<vmem>>, vector<128x128xf32>
    %get3A_2 = arith.constant 0 : index
    %get3A_3 = arith.constant 0 : index
    %get3A_4 = vector.load %arg1[%get3A_2, %get3A_3] : memref<128x128xf32, #tpu.memory_space<vmem>>, vector<128x128xf32>
    %get3A_5 = arith.constant 0 : index
    %get3A_6 = arith.constant 0 : index
    %get3A_7 = vector.load %arg2[%get3A_5, %get3A_6] : memref<128x128xf32, #tpu.memory_space<vmem>>, vector<128x128xf32>
    %iota3A = tpu.iota {dimensions = array<i32: 0>} : vector<128x128xi32>
    %iota3A_8 = tpu.iota {dimensions = array<i32: 1>} : vector<128x128xi32>
    %mul3A = arith.constant 128 : i32
    %mul3A_9 = vector.broadcast %mul3A : i32 to vector<128x128xi32>
    %mul3A_10 = arith.muli %iota3A, %mul3A_9 : vector<128x128xi32>
    %add3A = arith.addi %mul3A_10, %iota3A_8 : vector<128x128xi32>
    %broadcast_in_dim3A = arith.constant 0 : i32
    %broadcast_in_dim3A_11 = vector.broadcast %broadcast_in_dim3A : i32 to vector<1x1xi32>
    %swap3A = arith.constant 0 : index
    %swap3A_12 = arith.constant 0 : index
    %swap3A_13 = vector.load %arg3[%swap3A, %swap3A_12] : memref<4096x1xi32, #tpu.memory_space<vmem>>, vector<1x1xi32>
    tpu.vector_store %arg3[%swap3A, %swap3A_12], %broadcast_in_dim3A_11 {strides = array<i32>} : memref<4096x1xi32, #tpu.memory_space<vmem>>, vector<1x1xi32>,
    %eq3A = arith.constant 0 : i32
    %eq3A_14 = vector.broadcast %eq3A : i32 to vector<128x128xi32>
    %eq3A_15 = arith.cmpi eq, %add3A, %eq3A_14 : vector<128x128xi32>
    %jit3A = arith.constant 0.000000e+00 : f32
    %broadcast_in_dim3A_16 = vector.broadcast %jit3A : f32 to vector<128x128xf32>
    %select_n3A = arith.select %eq3A_15, %get3A_1, %broadcast_in_dim3A_16 : vector<128x128xi1>, vector<128x128xf32>
    %reduce_sum3A = arith.constant dense<0.000000e+00> : vector<128xf32>
    %reduce_sum3A_17 = vector.multi_reduction <add>, %select_n3A, %reduce_sum3A [0] : vector<128x128xf32> to vector<128xf32>
    %broadcast_in_dim3A_18 = vector.shape_cast %reduce_sum3A_17 : vector<128xf32> to vector<1x128xf32>
    %reduce_sum3A_19 = arith.constant dense<0.000000e+00> : vector<1xf32>
    %reduce_sum3A_20 = vector.multi_reduction <add>, %broadcast_in_dim3A_18, %reduce_sum3A_19 [1] : vector<1x128xf32> to vector<1xf32>
    %broadcast_in_dim3A_21 = vector.shape_cast %reduce_sum3A_20 : vector<1xf32> to vector<1x1xf32>
    %jit3A_22 = arith.constant 0.000000e+00 : f32
    %broadcast_in_dim3A_23 = vector.broadcast %jit3A_22 : f32 to vector<128x128xf32>
    %select_n3A_24 = arith.select %eq3A_15, %get3A_4, %broadcast_in_dim3A_23 : vector<128x128xi1>, vector<128x128xf32>
    %reduce_sum3A_25 = arith.constant dense<0.000000e+00> : vector<128xf32>
    %reduce_sum3A_26 = vector.multi_reduction <add>, %select_n3A_24, %reduce_sum3A_25 [0] : vector<128x128xf32> to vector<128xf32>
    %broadcast_in_dim3A_27 = vector.shape_cast %reduce_sum3A_26 : vector<128xf32> to vector<1x128xf32>
    %reduce_sum3A_28 = arith.constant dense<0.000000e+00> : vector<1xf32>
    %reduce_sum3A_29 = vector.multi_reduction <add>, %broadcast_in_dim3A_27, %reduce_sum3A_28 [1] : vector<1x128xf32> to vector<1xf32>
    %broadcast_in_dim3A_30 = vector.shape_cast %reduce_sum3A_29 : vector<1xf32> to vector<1x1xf32>
    %jit3A_31 = arith.constant 0.000000e+00 : f32
    %broadcast_in_dim3A_32 = vector.broadcast %jit3A_31 : f32 to vector<128x128xf32>
    %select_n3A_33 = arith.select %eq3A_15, %get3A_7, %broadcast_in_dim3A_32 : vector<128x128xi1>, vector<128x128xf32>
    %reduce_sum3A_34 = arith.constant dense<0.000000e+00> : vector<128xf32>
    %reduce_sum3A_35 = vector.multi_reduction <add>, %select_n3A_33, %reduce_sum3A_34 [0] : vector<128x128xf32> to vector<128xf32>
    %broadcast_in_dim3A_36 = vector.shape_cast %reduce_sum3A_35 : vector<128xf32> to vector<1x128xf32>
    %reduce_sum3A_37 = arith.constant dense<0.000000e+00> : vector<1xf32>
    %reduce_sum3A_38 = vector.multi_reduction <add>, %broadcast_in_dim3A_36, %reduce_sum3A_37 [1] : vector<1x128xf32> to vector<1xf32>
    %broadcast_in_dim3A_39 = vector.shape_cast %reduce_sum3A_38 : vector<1xf32> to vector<1x1xf32>
    %sub3A = vector.broadcast %broadcast_in_dim3A_21 : vector<1x1xf32> to vector<128x128xf32>
    %sub3A_40 = arith.subf %get3A_1, %sub3A : vector<128x128xf32>
    %sub3A_41 = vector.broadcast %broadcast_in_dim3A_30 : vector<1x1xf32> to vector<128x128xf32>
    %sub3A_42 = arith.subf %get3A_4, %sub3A_41 : vector<128x128xf32>
    %sub3A_43 = vector.broadcast %broadcast_in_dim3A_39 : vector<1x1xf32> to vector<128x128xf32>
    %sub3A_44 = arith.subf %get3A_7, %sub3A_43 : vector<128x128xf32>
    %mul3A_45 = arith.mulf %sub3A_40, %sub3A_40 : vector<128x128xf32>
    %mul3A_46 = arith.mulf %sub3A_42, %sub3A_42 : vector<128x128xf32>
    %add3A_47 = arith.addf %mul3A_45, %mul3A_46 : vector<128x128xf32>
    %mul3A_48 = arith.mulf %sub3A_44, %sub3A_44 : vector<128x128xf32>
    %add3A_49 = arith.addf %add3A_47, %mul3A_48 : vector<128x128xf32>
    %swap3A_50 = arith.constant 0 : index
    %swap3A_51 = arith.constant 0 : index
    %swap3A_52 = vector.load %arg4[%swap3A_50, %swap3A_51] : memref<128x128xf32, #tpu.memory_space<vmem>>, vector<128x128xf32>
    tpu.vector_store %arg4[%swap3A_50, %swap3A_51], %add3A_49 {strides = array<i32>} : memref<128x128xf32, #tpu.memory_space<vmem>>, vector<128x128xf32>,
    %scan3A = arith.constant 1 : i32
    %scan3A_53 = arith.constant 4095 : i32
    %scan3A_54 = arith.addi %scan3A, %scan3A_53 : i32
    %scan3A_55 = arith.constant 1 : i32
    scf.for %scan3A_57 = %scan3A to %scan3A_54 step %scan3A_55  : i32 {
      %get3A_58 = arith.constant 0 : index
      %get3A_59 = arith.constant 0 : index
      %get3A_60 = vector.load %arg4[%get3A_58, %get3A_59] : memref<128x128xf32, #tpu.memory_space<vmem>>, vector<128x128xf32>
      %slice3A = vector.extract_strided_slice %get3A_60 {offsets = [0, 0], sizes = [64, 128], strides = [1, 1]} : vector<128x128xf32> to vector<64x128xf32>
      %slice3A_61 = vector.extract_strided_slice %get3A_60 {offsets = [64, 0], sizes = [64, 128], strides = [1, 1]} : vector<128x128xf32> to vector<64x128xf32>
      %gt3A = arith.cmpf ogt, %slice3A, %slice3A_61 : vector<64x128xf32>
      %slice3A_62 = vector.extract_strided_slice %get3A_60 {offsets = [0, 0], sizes = [64, 128], strides = [1, 1]} : vector<128x128xf32> to vector<64x128xf32>
      %slice3A_63 = vector.extract_strided_slice %get3A_60 {offsets = [64, 0], sizes = [64, 128], strides = [1, 1]} : vector<128x128xf32> to vector<64x128xf32>
      %eq3A_64 = arith.cmpf oeq, %slice3A_62, %slice3A_63 : vector<64x128xf32>
      %slice3A_65 = vector.extract_strided_slice %add3A {offsets = [0, 0], sizes = [64, 128], strides = [1, 1]} : vector<128x128xi32> to vector<64x128xi32>
      %slice3A_66 = vector.extract_strided_slice %add3A {offsets = [64, 0], sizes = [64, 128], strides = [1, 1]} : vector<128x128xi32> to vector<64x128xi32>
      %lt3A = arith.cmpi slt, %slice3A_65, %slice3A_66 : vector<64x128xi32>
      %and3A = arith.andi %eq3A_64, %lt3A : vector<64x128xi1>
      %or3A = arith.ori %gt3A, %and3A : vector<64x128xi1>
      %slice3A_67 = vector.extract_strided_slice %get3A_60 {offsets = [0, 0], sizes = [64, 128], strides = [1, 1]} : vector<128x128xf32> to vector<64x128xf32>
      %slice3A_68 = vector.extract_strided_slice %get3A_60 {offsets = [64, 0], sizes = [64, 128], strides = [1, 1]} : vector<128x128xf32> to vector<64x128xf32>
      %select_n3A_69 = arith.select %or3A, %slice3A_67, %slice3A_68 : vector<64x128xi1>, vector<64x128xf32>
      %slice3A_70 = vector.extract_strided_slice %add3A {offsets = [0, 0], sizes = [64, 128], strides = [1, 1]} : vector<128x128xi32> to vector<64x128xi32>
      %slice3A_71 = vector.extract_strided_slice %add3A {offsets = [64, 0], sizes = [64, 128], strides = [1, 1]} : vector<128x128xi32> to vector<64x128xi32>
      %select_n3A_72 = arith.select %or3A, %slice3A_70, %slice3A_71 : vector<64x128xi1>, vector<64x128xi32>
      %slice3A_73 = vector.extract_strided_slice %select_n3A_69 {offsets = [0, 0], sizes = [32, 128], strides = [1, 1]} : vector<64x128xf32> to vector<32x128xf32>
      %slice3A_74 = vector.extract_strided_slice %select_n3A_69 {offsets = [32, 0], sizes = [32, 128], strides = [1, 1]} : vector<64x128xf32> to vector<32x128xf32>
      %gt3A_75 = arith.cmpf ogt, %slice3A_73, %slice3A_74 : vector<32x128xf32>
      %slice3A_76 = vector.extract_strided_slice %select_n3A_69 {offsets = [0, 0], sizes = [32, 128], strides = [1, 1]} : vector<64x128xf32> to vector<32x128xf32>
      %slice3A_77 = vector.extract_strided_slice %select_n3A_69 {offsets = [32, 0], sizes = [32, 128], strides = [1, 1]} : vector<64x128xf32> to vector<32x128xf32>
      %eq3A_78 = arith.cmpf oeq, %slice3A_76, %slice3A_77 : vector<32x128xf32>
      %slice3A_79 = vector.extract_strided_slice %select_n3A_72 {offsets = [0, 0], sizes = [32, 128], strides = [1, 1]} : vector<64x128xi32> to vector<32x128xi32>
      %slice3A_80 = vector.extract_strided_slice %select_n3A_72 {offsets = [32, 0], sizes = [32, 128], strides = [1, 1]} : vector<64x128xi32> to vector<32x128xi32>
      %lt3A_81 = arith.cmpi slt, %slice3A_79, %slice3A_80 : vector<32x128xi32>
      %and3A_82 = arith.andi %eq3A_78, %lt3A_81 : vector<32x128xi1>
      %or3A_83 = arith.ori %gt3A_75, %and3A_82 : vector<32x128xi1>
      %slice3A_84 = vector.extract_strided_slice %select_n3A_69 {offsets = [0, 0], sizes = [32, 128], strides = [1, 1]} : vector<64x128xf32> to vector<32x128xf32>
      %slice3A_85 = vector.extract_strided_slice %select_n3A_69 {offsets = [32, 0], sizes = [32, 128], strides = [1, 1]} : vector<64x128xf32> to vector<32x128xf32>
      %select_n3A_86 = arith.select %or3A_83, %slice3A_84, %slice3A_85 : vector<32x128xi1>, vector<32x128xf32>
      %slice3A_87 = vector.extract_strided_slice %select_n3A_72 {offsets = [0, 0], sizes = [32, 128], strides = [1, 1]} : vector<64x128xi32> to vector<32x128xi32>
      %slice3A_88 = vector.extract_strided_slice %select_n3A_72 {offsets = [32, 0], sizes = [32, 128], strides = [1, 1]} : vector<64x128xi32> to vector<32x128xi32>
      %select_n3A_89 = arith.select %or3A_83, %slice3A_87, %slice3A_88 : vector<32x128xi1>, vector<32x128xi32>
      %slice3A_90 = vector.extract_strided_slice %select_n3A_86 {offsets = [0, 0], sizes = [16, 128], strides = [1, 1]} : vector<32x128xf32> to vector<16x128xf32>
      %slice3A_91 = vector.extract_strided_slice %select_n3A_86 {offsets = [16, 0], sizes = [16, 128], strides = [1, 1]} : vector<32x128xf32> to vector<16x128xf32>
      %gt3A_92 = arith.cmpf ogt, %slice3A_90, %slice3A_91 : vector<16x128xf32>
      %slice3A_93 = vector.extract_strided_slice %select_n3A_86 {offsets = [0, 0], sizes = [16, 128], strides = [1, 1]} : vector<32x128xf32> to vector<16x128xf32>
      %slice3A_94 = vector.extract_strided_slice %select_n3A_86 {offsets = [16, 0], sizes = [16, 128], strides = [1, 1]} : vector<32x128xf32> to vector<16x128xf32>
      %eq3A_95 = arith.cmpf oeq, %slice3A_93, %slice3A_94 : vector<16x128xf32>
      %slice3A_96 = vector.extract_strided_slice %select_n3A_89 {offsets = [0, 0], sizes = [16, 128], strides = [1, 1]} : vector<32x128xi32> to vector<16x128xi32>
      %slice3A_97 = vector.extract_strided_slice %select_n3A_89 {offsets = [16, 0], sizes = [16, 128], strides = [1, 1]} : vector<32x128xi32> to vector<16x128xi32>
      %lt3A_98 = arith.cmpi slt, %slice3A_96, %slice3A_97 : vector<16x128xi32>
      %and3A_99 = arith.andi %eq3A_95, %lt3A_98 : vector<16x128xi1>
      %or3A_100 = arith.ori %gt3A_92, %and3A_99 : vector<16x128xi1>
      %slice3A_101 = vector.extract_strided_slice %select_n3A_86 {offsets = [0, 0], sizes = [16, 128], strides = [1, 1]} : vector<32x128xf32> to vector<16x128xf32>
      %slice3A_102 = vector.extract_strided_slice %select_n3A_86 {offsets = [16, 0], sizes = [16, 128], strides = [1, 1]} : vector<32x128xf32> to vector<16x128xf32>
      %select_n3A_103 = arith.select %or3A_100, %slice3A_101, %slice3A_102 : vector<16x128xi1>, vector<16x128xf32>
      %slice3A_104 = vector.extract_strided_slice %select_n3A_89 {offsets = [0, 0], sizes = [16, 128], strides = [1, 1]} : vector<32x128xi32> to vector<16x128xi32>
      %slice3A_105 = vector.extract_strided_slice %select_n3A_89 {offsets = [16, 0], sizes = [16, 128], strides = [1, 1]} : vector<32x128xi32> to vector<16x128xi32>
      %select_n3A_106 = arith.select %or3A_100, %slice3A_104, %slice3A_105 : vector<16x128xi1>, vector<16x128xi32>
      %slice3A_107 = vector.extract_strided_slice %select_n3A_103 {offsets = [0, 0], sizes = [8, 128], strides = [1, 1]} : vector<16x128xf32> to vector<8x128xf32>
      %slice3A_108 = vector.extract_strided_slice %select_n3A_103 {offsets = [8, 0], sizes = [8, 128], strides = [1, 1]} : vector<16x128xf32> to vector<8x128xf32>
      %gt3A_109 = arith.cmpf ogt, %slice3A_107, %slice3A_108 : vector<8x128xf32>
      %slice3A_110 = vector.extract_strided_slice %select_n3A_103 {offsets = [0, 0], sizes = [8, 128], strides = [1, 1]} : vector<16x128xf32> to vector<8x128xf32>
      %slice3A_111 = vector.extract_strided_slice %select_n3A_103 {offsets = [8, 0], sizes = [8, 128], strides = [1, 1]} : vector<16x128xf32> to vector<8x128xf32>
      %eq3A_112 = arith.cmpf oeq, %slice3A_110, %slice3A_111 : vector<8x128xf32>
      %slice3A_113 = vector.extract_strided_slice %select_n3A_106 {offsets = [0, 0], sizes = [8, 128], strides = [1, 1]} : vector<16x128xi32> to vector<8x128xi32>
      %slice3A_114 = vector.extract_strided_slice %select_n3A_106 {offsets = [8, 0], sizes = [8, 128], strides = [1, 1]} : vector<16x128xi32> to vector<8x128xi32>
      %lt3A_115 = arith.cmpi slt, %slice3A_113, %slice3A_114 : vector<8x128xi32>
      %and3A_116 = arith.andi %eq3A_112, %lt3A_115 : vector<8x128xi1>
      %or3A_117 = arith.ori %gt3A_109, %and3A_116 : vector<8x128xi1>
      %slice3A_118 = vector.extract_strided_slice %select_n3A_103 {offsets = [0, 0], sizes = [8, 128], strides = [1, 1]} : vector<16x128xf32> to vector<8x128xf32>
      %slice3A_119 = vector.extract_strided_slice %select_n3A_103 {offsets = [8, 0], sizes = [8, 128], strides = [1, 1]} : vector<16x128xf32> to vector<8x128xf32>
      %select_n3A_120 = arith.select %or3A_117, %slice3A_118, %slice3A_119 : vector<8x128xi1>, vector<8x128xf32>
      %slice3A_121 = vector.extract_strided_slice %select_n3A_106 {offsets = [0, 0], sizes = [8, 128], strides = [1, 1]} : vector<16x128xi32> to vector<8x128xi32>
      %slice3A_122 = vector.extract_strided_slice %select_n3A_106 {offsets = [8, 0], sizes = [8, 128], strides = [1, 1]} : vector<16x128xi32> to vector<8x128xi32>
      %select_n3A_123 = arith.select %or3A_117, %slice3A_121, %slice3A_122 : vector<8x128xi1>, vector<8x128xi32>
      %slice3A_124 = vector.extract_strided_slice %select_n3A_120 {offsets = [0, 0], sizes = [4, 128], strides = [1, 1]} : vector<8x128xf32> to vector<4x128xf32>
      %slice3A_125 = vector.extract_strided_slice %select_n3A_120 {offsets = [4, 0], sizes = [4, 128], strides = [1, 1]} : vector<8x128xf32> to vector<4x128xf32>
      %gt3A_126 = arith.cmpf ogt, %slice3A_124, %slice3A_125 : vector<4x128xf32>
      %slice3A_127 = vector.extract_strided_slice %select_n3A_120 {offsets = [0, 0], sizes = [4, 128], strides = [1, 1]} : vector<8x128xf32> to vector<4x128xf32>
      %slice3A_128 = vector.extract_strided_slice %select_n3A_120 {offsets = [4, 0], sizes = [4, 128], strides = [1, 1]} : vector<8x128xf32> to vector<4x128xf32>
      %eq3A_129 = arith.cmpf oeq, %slice3A_127, %slice3A_128 : vector<4x128xf32>
      %slice3A_130 = vector.extract_strided_slice %select_n3A_123 {offsets = [0, 0], sizes = [4, 128], strides = [1, 1]} : vector<8x128xi32> to vector<4x128xi32>
      %slice3A_131 = vector.extract_strided_slice %select_n3A_123 {offsets = [4, 0], sizes = [4, 128], strides = [1, 1]} : vector<8x128xi32> to vector<4x128xi32>
      %lt3A_132 = arith.cmpi slt, %slice3A_130, %slice3A_131 : vector<4x128xi32>
      %and3A_133 = arith.andi %eq3A_129, %lt3A_132 : vector<4x128xi1>
      %or3A_134 = arith.ori %gt3A_126, %and3A_133 : vector<4x128xi1>
      %slice3A_135 = vector.extract_strided_slice %select_n3A_120 {offsets = [0, 0], sizes = [4, 128], strides = [1, 1]} : vector<8x128xf32> to vector<4x128xf32>
      %slice3A_136 = vector.extract_strided_slice %select_n3A_120 {offsets = [4, 0], sizes = [4, 128], strides = [1, 1]} : vector<8x128xf32> to vector<4x128xf32>
      %select_n3A_137 = arith.select %or3A_134, %slice3A_135, %slice3A_136 : vector<4x128xi1>, vector<4x128xf32>
      %slice3A_138 = vector.extract_strided_slice %select_n3A_123 {offsets = [0, 0], sizes = [4, 128], strides = [1, 1]} : vector<8x128xi32> to vector<4x128xi32>
      %slice3A_139 = vector.extract_strided_slice %select_n3A_123 {offsets = [4, 0], sizes = [4, 128], strides = [1, 1]} : vector<8x128xi32> to vector<4x128xi32>
      %select_n3A_140 = arith.select %or3A_134, %slice3A_138, %slice3A_139 : vector<4x128xi1>, vector<4x128xi32>
      %slice3A_141 = vector.extract_strided_slice %select_n3A_137 {offsets = [0, 0], sizes = [2, 128], strides = [1, 1]} : vector<4x128xf32> to vector<2x128xf32>
      %slice3A_142 = vector.extract_strided_slice %select_n3A_137 {offsets = [2, 0], sizes = [2, 128], strides = [1, 1]} : vector<4x128xf32> to vector<2x128xf32>
      %gt3A_143 = arith.cmpf ogt, %slice3A_141, %slice3A_142 : vector<2x128xf32>
      %slice3A_144 = vector.extract_strided_slice %select_n3A_137 {offsets = [0, 0], sizes = [2, 128], strides = [1, 1]} : vector<4x128xf32> to vector<2x128xf32>
      %slice3A_145 = vector.extract_strided_slice %select_n3A_137 {offsets = [2, 0], sizes = [2, 128], strides = [1, 1]} : vector<4x128xf32> to vector<2x128xf32>
      %eq3A_146 = arith.cmpf oeq, %slice3A_144, %slice3A_145 : vector<2x128xf32>
      %slice3A_147 = vector.extract_strided_slice %select_n3A_140 {offsets = [0, 0], sizes = [2, 128], strides = [1, 1]} : vector<4x128xi32> to vector<2x128xi32>
      %slice3A_148 = vector.extract_strided_slice %select_n3A_140 {offsets = [2, 0], sizes = [2, 128], strides = [1, 1]} : vector<4x128xi32> to vector<2x128xi32>
      %lt3A_149 = arith.cmpi slt, %slice3A_147, %slice3A_148 : vector<2x128xi32>
      %and3A_150 = arith.andi %eq3A_146, %lt3A_149 : vector<2x128xi1>
      %or3A_151 = arith.ori %gt3A_143, %and3A_150 : vector<2x128xi1>
      %slice3A_152 = vector.extract_strided_slice %select_n3A_137 {offsets = [0, 0], sizes = [2, 128], strides = [1, 1]} : vector<4x128xf32> to vector<2x128xf32>
      %slice3A_153 = vector.extract_strided_slice %select_n3A_137 {offsets = [2, 0], sizes = [2, 128], strides = [1, 1]} : vector<4x128xf32> to vector<2x128xf32>
      %select_n3A_154 = arith.select %or3A_151, %slice3A_152, %slice3A_153 : vector<2x128xi1>, vector<2x128xf32>
      %slice3A_155 = vector.extract_strided_slice %select_n3A_140 {offsets = [0, 0], sizes = [2, 128], strides = [1, 1]} : vector<4x128xi32> to vector<2x128xi32>
      %slice3A_156 = vector.extract_strided_slice %select_n3A_140 {offsets = [2, 0], sizes = [2, 128], strides = [1, 1]} : vector<4x128xi32> to vector<2x128xi32>
      %select_n3A_157 = arith.select %or3A_151, %slice3A_155, %slice3A_156 : vector<2x128xi1>, vector<2x128xi32>
      %slice3A_158 = vector.extract_strided_slice %select_n3A_154 {offsets = [0, 0], sizes = [1, 128], strides = [1, 1]} : vector<2x128xf32> to vector<1x128xf32>
      %slice3A_159 = vector.extract_strided_slice %select_n3A_154 {offsets = [1, 0], sizes = [1, 128], strides = [1, 1]} : vector<2x128xf32> to vector<1x128xf32>
      %gt3A_160 = arith.cmpf ogt, %slice3A_158, %slice3A_159 : vector<1x128xf32>
      %slice3A_161 = vector.extract_strided_slice %select_n3A_154 {offsets = [0, 0], sizes = [1, 128], strides = [1, 1]} : vector<2x128xf32> to vector<1x128xf32>
      %slice3A_162 = vector.extract_strided_slice %select_n3A_154 {offsets = [1, 0], sizes = [1, 128], strides = [1, 1]} : vector<2x128xf32> to vector<1x128xf32>
      %eq3A_163 = arith.cmpf oeq, %slice3A_161, %slice3A_162 : vector<1x128xf32>
      %slice3A_164 = vector.extract_strided_slice %select_n3A_157 {offsets = [0, 0], sizes = [1, 128], strides = [1, 1]} : vector<2x128xi32> to vector<1x128xi32>
      %slice3A_165 = vector.extract_strided_slice %select_n3A_157 {offsets = [1, 0], sizes = [1, 128], strides = [1, 1]} : vector<2x128xi32> to vector<1x128xi32>
      %lt3A_166 = arith.cmpi slt, %slice3A_164, %slice3A_165 : vector<1x128xi32>
      %and3A_167 = arith.andi %eq3A_163, %lt3A_166 : vector<1x128xi1>
      %or3A_168 = arith.ori %gt3A_160, %and3A_167 : vector<1x128xi1>
      %slice3A_169 = vector.extract_strided_slice %select_n3A_154 {offsets = [0, 0], sizes = [1, 128], strides = [1, 1]} : vector<2x128xf32> to vector<1x128xf32>
      %slice3A_170 = vector.extract_strided_slice %select_n3A_154 {offsets = [1, 0], sizes = [1, 128], strides = [1, 1]} : vector<2x128xf32> to vector<1x128xf32>
      %select_n3A_171 = arith.select %or3A_168, %slice3A_169, %slice3A_170 : vector<1x128xi1>, vector<1x128xf32>
      %slice3A_172 = vector.extract_strided_slice %select_n3A_157 {offsets = [0, 0], sizes = [1, 128], strides = [1, 1]} : vector<2x128xi32> to vector<1x128xi32>
      %slice3A_173 = vector.extract_strided_slice %select_n3A_157 {offsets = [1, 0], sizes = [1, 128], strides = [1, 1]} : vector<2x128xi32> to vector<1x128xi32>
      %select_n3A_174 = arith.select %or3A_168, %slice3A_172, %slice3A_173 : vector<1x128xi1>, vector<1x128xi32>
      %reduce_max3A = arith.constant dense<0xFF800000> : vector<1xf32>
      %reduce_max3A_175 = vector.multi_reduction <maximumf>, %select_n3A_171, %reduce_max3A [1] : vector<1x128xf32> to vector<1xf32>
      %broadcast_in_dim3A_176 = vector.shape_cast %reduce_max3A_175 : vector<1xf32> to vector<1x1xf32>
      %eq3A_177 = vector.broadcast %broadcast_in_dim3A_176 : vector<1x1xf32> to vector<1x128xf32>
      %eq3A_178 = arith.cmpf oeq, %select_n3A_171, %eq3A_177 : vector<1x128xf32>
      %jit3A_179 = arith.constant 1073741824 : i32
      %broadcast_in_dim3A_180 = vector.broadcast %jit3A_179 : i32 to vector<1x128xi32>
      %select_n3A_181 = arith.select %eq3A_178, %select_n3A_174, %broadcast_in_dim3A_180 : vector<1x128xi1>, vector<1x128xi32>
      %reduce_min3A = arith.constant dense<2147483647> : vector<1xi32>
      %reduce_min3A_182 = vector.multi_reduction <minsi>, %select_n3A_181, %reduce_min3A [1] : vector<1x128xi32> to vector<1xi32>
      %broadcast_in_dim3A_183 = vector.shape_cast %reduce_min3A_182 : vector<1xi32> to vector<1x1xi32>
      %swap3A_184 = arith.index_cast %scan3A_57 : i32 to index
      %swap3A_185 = arith.constant 0 : index
      %swap3A_186 = vector.load %arg3[%swap3A_184, %swap3A_185] : memref<4096x1xi32, #tpu.memory_space<vmem>>, vector<1x1xi32>
      tpu.vector_store %arg3[%swap3A_184, %swap3A_185], %broadcast_in_dim3A_183 {strides = array<i32>} : memref<4096x1xi32, #tpu.memory_space<vmem>>, vector<1x1xi32>,
      %get3A_187 = arith.constant 0 : index
      %get3A_188 = arith.constant 0 : index
      %get3A_189 = vector.load %arg4[%get3A_187, %get3A_188] : memref<128x128xf32, #tpu.memory_space<vmem>>, vector<128x128xf32>
      %eq3A_190 = vector.broadcast %broadcast_in_dim3A_183 : vector<1x1xi32> to vector<128x128xi32>
      %eq3A_191 = arith.cmpi eq, %add3A, %eq3A_190 : vector<128x128xi32>
      %jit3A_192 = arith.constant 0.000000e+00 : f32
      %broadcast_in_dim3A_193 = vector.broadcast %jit3A_192 : f32 to vector<128x128xf32>
      %select_n3A_194 = arith.select %eq3A_191, %get3A_1, %broadcast_in_dim3A_193 : vector<128x128xi1>, vector<128x128xf32>
      %reduce_sum3A_195 = arith.constant dense<0.000000e+00> : vector<128xf32>
      %reduce_sum3A_196 = vector.multi_reduction <add>, %select_n3A_194, %reduce_sum3A_195 [0] : vector<128x128xf32> to vector<128xf32>
      %broadcast_in_dim3A_197 = vector.shape_cast %reduce_sum3A_196 : vector<128xf32> to vector<1x128xf32>
      %reduce_sum3A_198 = arith.constant dense<0.000000e+00> : vector<1xf32>
      %reduce_sum3A_199 = vector.multi_reduction <add>, %broadcast_in_dim3A_197, %reduce_sum3A_198 [1] : vector<1x128xf32> to vector<1xf32>
      %broadcast_in_dim3A_200 = vector.shape_cast %reduce_sum3A_199 : vector<1xf32> to vector<1x1xf32>
      %jit3A_201 = arith.constant 0.000000e+00 : f32
      %broadcast_in_dim3A_202 = vector.broadcast %jit3A_201 : f32 to vector<128x128xf32>
      %select_n3A_203 = arith.select %eq3A_191, %get3A_4, %broadcast_in_dim3A_202 : vector<128x128xi1>, vector<128x128xf32>
      %reduce_sum3A_204 = arith.constant dense<0.000000e+00> : vector<128xf32>
      %reduce_sum3A_205 = vector.multi_reduction <add>, %select_n3A_203, %reduce_sum3A_204 [0] : vector<128x128xf32> to vector<128xf32>
      %broadcast_in_dim3A_206 = vector.shape_cast %reduce_sum3A_205 : vector<128xf32> to vector<1x128xf32>
      %reduce_sum3A_207 = arith.constant dense<0.000000e+00> : vector<1xf32>
      %reduce_sum3A_208 = vector.multi_reduction <add>, %broadcast_in_dim3A_206, %reduce_sum3A_207 [1] : vector<1x128xf32> to vector<1xf32>
      %broadcast_in_dim3A_209 = vector.shape_cast %reduce_sum3A_208 : vector<1xf32> to vector<1x1xf32>
      %jit3A_210 = arith.constant 0.000000e+00 : f32
      %broadcast_in_dim3A_211 = vector.broadcast %jit3A_210 : f32 to vector<128x128xf32>
      %select_n3A_212 = arith.select %eq3A_191, %get3A_7, %broadcast_in_dim3A_211 : vector<128x128xi1>, vector<128x128xf32>
      %reduce_sum3A_213 = arith.constant dense<0.000000e+00> : vector<128xf32>
      %reduce_sum3A_214 = vector.multi_reduction <add>, %select_n3A_212, %reduce_sum3A_213 [0] : vector<128x128xf32> to vector<128xf32>
      %broadcast_in_dim3A_215 = vector.shape_cast %reduce_sum3A_214 : vector<128xf32> to vector<1x128xf32>
      %reduce_sum3A_216 = arith.constant dense<0.000000e+00> : vector<1xf32>
      %reduce_sum3A_217 = vector.multi_reduction <add>, %broadcast_in_dim3A_215, %reduce_sum3A_216 [1] : vector<1x128xf32> to vector<1xf32>
      %broadcast_in_dim3A_218 = vector.shape_cast %reduce_sum3A_217 : vector<1xf32> to vector<1x1xf32>
      %sub3A_219 = vector.broadcast %broadcast_in_dim3A_200 : vector<1x1xf32> to vector<128x128xf32>
      %sub3A_220 = arith.subf %get3A_1, %sub3A_219 : vector<128x128xf32>
      %sub3A_221 = vector.broadcast %broadcast_in_dim3A_209 : vector<1x1xf32> to vector<128x128xf32>
      %sub3A_222 = arith.subf %get3A_4, %sub3A_221 : vector<128x128xf32>
      %sub3A_223 = vector.broadcast %broadcast_in_dim3A_218 : vector<1x1xf32> to vector<128x128xf32>
      %sub3A_224 = arith.subf %get3A_7, %sub3A_223 : vector<128x128xf32>
      %mul3A_225 = arith.mulf %sub3A_220, %sub3A_220 : vector<128x128xf32>
      %mul3A_226 = arith.mulf %sub3A_222, %sub3A_222 : vector<128x128xf32>
      %add3A_227 = arith.addf %mul3A_225, %mul3A_226 : vector<128x128xf32>
      %mul3A_228 = arith.mulf %sub3A_224, %sub3A_224 : vector<128x128xf32>
      %add3A_229 = arith.addf %add3A_227, %mul3A_228 : vector<128x128xf32>
      %min3A = arith.minimumf %get3A_189, %add3A_229 : vector<128x128xf32>
      %swap3A_230 = arith.constant 0 : index
      %swap3A_231 = arith.constant 0 : index
      %swap3A_232 = vector.load %arg4[%swap3A_230, %swap3A_231] : memref<128x128xf32, #tpu.memory_space<vmem>>, vector<128x128xf32>
      tpu.vector_store %arg4[%swap3A_230, %swap3A_231], %min3A {strides = array<i32>} : memref<128x128xf32, #tpu.memory_space<vmem>>, vector<128x128xf32>,
    }
    %scan3A_56 = arith.constant 4095 : i32
    return
  }
}

module attributes {stable_mosaic.version = 14 : i64} {
  func.func @_knn_kernel(%arg0: i32, %arg1: memref<256x8xf32, #tpu.memory_space<vmem>>, %arg2: memref<8x4096xf32, #tpu.memory_space<vmem>>, %arg3: memref<256x8xf32, #tpu.memory_space<vmem>>, %arg4: memref<256x8xi32, #tpu.memory_space<vmem>>) attributes {dimension_semantics = [#tpu.dimension_semantics<arbitrary>], iteration_bounds = array<i64: 16>, scalar_prefetch = 0 : i64, scratch_operands = 0 : i64, tpu.core_type = #tpu.core_type<tc>, window_params = [{transform_indices = @transform_0, window_bounds = array<i64: 256, 8>}, {pipeline_mode = #tpu.pipeline_mode<synchronous>, transform_indices = @transform_1, window_bounds = array<i64: 8, 4096>}, {transform_indices = @transform_2, window_bounds = array<i64: 256, 8>}, {transform_indices = @transform_3, window_bounds = array<i64: 256, 8>}]} {
    %get3A = arith.constant 0 : index
    %get3A_0 = arith.constant 0 : index
    %get3A_1 = vector.load %arg1[%get3A, %get3A_0] : memref<256x8xf32, #tpu.memory_space<vmem>>, vector<256x1xf32>
    %get3A_2 = arith.constant 0 : index
    %get3A_3 = arith.constant 1 : index
    %get3A_4 = vector.load %arg1[%get3A_2, %get3A_3] : memref<256x8xf32, #tpu.memory_space<vmem>>, vector<256x1xf32>
    %get3A_5 = arith.constant 0 : index
    %get3A_6 = arith.constant 2 : index
    %get3A_7 = vector.load %arg1[%get3A_5, %get3A_6] : memref<256x8xf32, #tpu.memory_space<vmem>>, vector<256x1xf32>
    %get3A_8 = arith.constant 0 : index
    %get3A_9 = arith.constant 0 : index
    %get3A_10 = vector.load %arg2[%get3A_8, %get3A_9] : memref<8x4096xf32, #tpu.memory_space<vmem>>, vector<1x4096xf32>
    %get3A_11 = arith.constant 1 : index
    %get3A_12 = arith.constant 0 : index
    %get3A_13 = vector.load %arg2[%get3A_11, %get3A_12] : memref<8x4096xf32, #tpu.memory_space<vmem>>, vector<1x4096xf32>
    %get3A_14 = arith.constant 2 : index
    %get3A_15 = arith.constant 0 : index
    %get3A_16 = vector.load %arg2[%get3A_14, %get3A_15] : memref<8x4096xf32, #tpu.memory_space<vmem>>, vector<1x4096xf32>
    %mul3A = arith.mulf %get3A_1, %get3A_1 : vector<256x1xf32>
    %mul3A_17 = arith.mulf %get3A_4, %get3A_4 : vector<256x1xf32>
    %add3A = arith.addf %mul3A, %mul3A_17 : vector<256x1xf32>
    %mul3A_18 = arith.mulf %get3A_7, %get3A_7 : vector<256x1xf32>
    %add3A_19 = arith.addf %add3A, %mul3A_18 : vector<256x1xf32>
    %mul3A_20 = arith.mulf %get3A_10, %get3A_10 : vector<1x4096xf32>
    %mul3A_21 = arith.mulf %get3A_13, %get3A_13 : vector<1x4096xf32>
    %add3A_22 = arith.addf %mul3A_20, %mul3A_21 : vector<1x4096xf32>
    %mul3A_23 = arith.mulf %get3A_16, %get3A_16 : vector<1x4096xf32>
    %add3A_24 = arith.addf %add3A_22, %mul3A_23 : vector<1x4096xf32>
    %convert_element_type3A = arith.truncf %get3A_1 : vector<256x1xf32> to vector<256x1xbf16>
    %convert_element_type3A_25 = arith.extf %convert_element_type3A : vector<256x1xbf16> to vector<256x1xf32>
    %convert_element_type3A_26 = arith.truncf %get3A_10 : vector<1x4096xf32> to vector<1x4096xbf16>
    %convert_element_type3A_27 = arith.extf %convert_element_type3A_26 : vector<1x4096xbf16> to vector<1x4096xf32>
    %mul3A_28 = vector.broadcast %convert_element_type3A_25 : vector<256x1xf32> to vector<256x4096xf32>
    %mul3A_29 = vector.broadcast %convert_element_type3A_27 : vector<1x4096xf32> to vector<256x4096xf32>
    %mul3A_30 = arith.mulf %mul3A_28, %mul3A_29 : vector<256x4096xf32>
    %convert_element_type3A_31 = arith.truncf %get3A_4 : vector<256x1xf32> to vector<256x1xbf16>
    %convert_element_type3A_32 = arith.extf %convert_element_type3A_31 : vector<256x1xbf16> to vector<256x1xf32>
    %convert_element_type3A_33 = arith.truncf %get3A_13 : vector<1x4096xf32> to vector<1x4096xbf16>
    %convert_element_type3A_34 = arith.extf %convert_element_type3A_33 : vector<1x4096xbf16> to vector<1x4096xf32>
    %mul3A_35 = vector.broadcast %convert_element_type3A_32 : vector<256x1xf32> to vector<256x4096xf32>
    %mul3A_36 = vector.broadcast %convert_element_type3A_34 : vector<1x4096xf32> to vector<256x4096xf32>
    %mul3A_37 = arith.mulf %mul3A_35, %mul3A_36 : vector<256x4096xf32>
    %add3A_38 = arith.addf %mul3A_30, %mul3A_37 : vector<256x4096xf32>
    %convert_element_type3A_39 = arith.truncf %get3A_7 : vector<256x1xf32> to vector<256x1xbf16>
    %convert_element_type3A_40 = arith.extf %convert_element_type3A_39 : vector<256x1xbf16> to vector<256x1xf32>
    %convert_element_type3A_41 = arith.truncf %get3A_16 : vector<1x4096xf32> to vector<1x4096xbf16>
    %convert_element_type3A_42 = arith.extf %convert_element_type3A_41 : vector<1x4096xbf16> to vector<1x4096xf32>
    %mul3A_43 = vector.broadcast %convert_element_type3A_40 : vector<256x1xf32> to vector<256x4096xf32>
    %mul3A_44 = vector.broadcast %convert_element_type3A_42 : vector<1x4096xf32> to vector<256x4096xf32>
    %mul3A_45 = arith.mulf %mul3A_43, %mul3A_44 : vector<256x4096xf32>
    %add3A_46 = arith.addf %add3A_38, %mul3A_45 : vector<256x4096xf32>
    %mul3A_47 = arith.constant 2.000000e+00 : f32
    %mul3A_48 = vector.broadcast %mul3A_47 : f32 to vector<256x4096xf32>
    %mul3A_49 = arith.mulf %mul3A_48, %add3A_46 : vector<256x4096xf32>
    %sub3A = vector.broadcast %add3A_19 : vector<256x1xf32> to vector<256x4096xf32>
    %sub3A_50 = arith.subf %sub3A, %mul3A_49 : vector<256x4096xf32>
    %add3A_51 = vector.broadcast %add3A_24 : vector<1x4096xf32> to vector<256x4096xf32>
    %add3A_52 = arith.addf %sub3A_50, %add3A_51 : vector<256x4096xf32>
    %iota3A = tpu.iota {dimensions = array<i32: 1>} : vector<256x4096xi32>
    %iota3A_53 = tpu.iota {dimensions = array<i32: 0>} : vector<256x4096xi32>
    %mul3A_54 = arith.constant 256 : i32
    %mul3A_55 = arith.muli %arg0, %mul3A_54 : i32
    %add3A_56 = vector.broadcast %mul3A_55 : i32 to vector<256x4096xi32>
    %add3A_57 = arith.addi %iota3A_53, %add3A_56 : vector<256x4096xi32>
    %eq3A = arith.cmpi eq, %iota3A, %add3A_57 : vector<256x4096xi32>
    %jit3A = arith.constant 0x7F800000 : f32
    %broadcast_in_dim3A = vector.broadcast %jit3A : f32 to vector<256x4096xf32>
    %select_n3A = arith.select %eq3A, %broadcast_in_dim3A, %add3A_52 : vector<256x4096xi1>, vector<256x4096xf32>
    %reduce_min3A = arith.constant dense<0x7F800000> : vector<256xf32>
    %reduce_min3A_58 = vector.multi_reduction <minimumf>, %select_n3A, %reduce_min3A [1] : vector<256x4096xf32> to vector<256xf32>
    %broadcast_in_dim3A_59 = vector.shape_cast %reduce_min3A_58 : vector<256xf32> to vector<256x1xf32>
    %eq3A_60 = vector.broadcast %broadcast_in_dim3A_59 : vector<256x1xf32> to vector<256x4096xf32>
    %eq3A_61 = arith.cmpf oeq, %select_n3A, %eq3A_60 : vector<256x4096xf32>
    %jit3A_62 = arith.constant 1073741824 : i32
    %broadcast_in_dim3A_63 = vector.broadcast %jit3A_62 : i32 to vector<256x4096xi32>
    %select_n3A_64 = arith.select %eq3A_61, %iota3A, %broadcast_in_dim3A_63 : vector<256x4096xi1>, vector<256x4096xi32>
    %reduce_min3A_65 = arith.constant dense<2147483647> : vector<256xi32>
    %reduce_min3A_66 = vector.multi_reduction <minsi>, %select_n3A_64, %reduce_min3A_65 [1] : vector<256x4096xi32> to vector<256xi32>
    %broadcast_in_dim3A_67 = vector.shape_cast %reduce_min3A_66 : vector<256xi32> to vector<256x1xi32>
    %swap3A = arith.constant 0 : index
    %swap3A_68 = arith.constant 0 : index
    %swap3A_69 = vector.load %arg3[%swap3A, %swap3A_68] : memref<256x8xf32, #tpu.memory_space<vmem>>, vector<256x1xf32>
    tpu.vector_store %arg3[%swap3A, %swap3A_68], %broadcast_in_dim3A_59 {strides = array<i32>} : memref<256x8xf32, #tpu.memory_space<vmem>>, vector<256x1xf32>,
    %swap3A_70 = arith.constant 0 : index
    %swap3A_71 = arith.constant 0 : index
    %swap3A_72 = vector.load %arg4[%swap3A_70, %swap3A_71] : memref<256x8xi32, #tpu.memory_space<vmem>>, vector<256x1xi32>
    tpu.vector_store %arg4[%swap3A_70, %swap3A_71], %broadcast_in_dim3A_67 {strides = array<i32>} : memref<256x8xi32, #tpu.memory_space<vmem>>, vector<256x1xi32>,
    %eq3A_73 = vector.broadcast %broadcast_in_dim3A_67 : vector<256x1xi32> to vector<256x4096xi32>
    %eq3A_74 = arith.cmpi eq, %iota3A, %eq3A_73 : vector<256x4096xi32>
    %jit3A_75 = arith.constant 0x7F800000 : f32
    %broadcast_in_dim3A_76 = vector.broadcast %jit3A_75 : f32 to vector<256x4096xf32>
    %select_n3A_77 = arith.select %eq3A_74, %broadcast_in_dim3A_76, %select_n3A : vector<256x4096xi1>, vector<256x4096xf32>
    %reduce_min3A_78 = arith.constant dense<0x7F800000> : vector<256xf32>
    %reduce_min3A_79 = vector.multi_reduction <minimumf>, %select_n3A_77, %reduce_min3A_78 [1] : vector<256x4096xf32> to vector<256xf32>
    %broadcast_in_dim3A_80 = vector.shape_cast %reduce_min3A_79 : vector<256xf32> to vector<256x1xf32>
    %eq3A_81 = vector.broadcast %broadcast_in_dim3A_80 : vector<256x1xf32> to vector<256x4096xf32>
    %eq3A_82 = arith.cmpf oeq, %select_n3A_77, %eq3A_81 : vector<256x4096xf32>
    %jit3A_83 = arith.constant 1073741824 : i32
    %broadcast_in_dim3A_84 = vector.broadcast %jit3A_83 : i32 to vector<256x4096xi32>
    %select_n3A_85 = arith.select %eq3A_82, %iota3A, %broadcast_in_dim3A_84 : vector<256x4096xi1>, vector<256x4096xi32>
    %reduce_min3A_86 = arith.constant dense<2147483647> : vector<256xi32>
    %reduce_min3A_87 = vector.multi_reduction <minsi>, %select_n3A_85, %reduce_min3A_86 [1] : vector<256x4096xi32> to vector<256xi32>
    %broadcast_in_dim3A_88 = vector.shape_cast %reduce_min3A_87 : vector<256xi32> to vector<256x1xi32>
    %swap3A_89 = arith.constant 0 : index
    %swap3A_90 = arith.constant 1 : index
    %swap3A_91 = vector.load %arg3[%swap3A_89, %swap3A_90] : memref<256x8xf32, #tpu.memory_space<vmem>>, vector<256x1xf32>
    tpu.vector_store %arg3[%swap3A_89, %swap3A_90], %broadcast_in_dim3A_80 {strides = array<i32>} : memref<256x8xf32, #tpu.memory_space<vmem>>, vector<256x1xf32>,
    %swap3A_92 = arith.constant 0 : index
    %swap3A_93 = arith.constant 1 : index
    %swap3A_94 = vector.load %arg4[%swap3A_92, %swap3A_93] : memref<256x8xi32, #tpu.memory_space<vmem>>, vector<256x1xi32>
    tpu.vector_store %arg4[%swap3A_92, %swap3A_93], %broadcast_in_dim3A_88 {strides = array<i32>} : memref<256x8xi32, #tpu.memory_space<vmem>>, vector<256x1xi32>,
    %eq3A_95 = vector.broadcast %broadcast_in_dim3A_88 : vector<256x1xi32> to vector<256x4096xi32>
    %eq3A_96 = arith.cmpi eq, %iota3A, %eq3A_95 : vector<256x4096xi32>
    %jit3A_97 = arith.constant 0x7F800000 : f32
    %broadcast_in_dim3A_98 = vector.broadcast %jit3A_97 : f32 to vector<256x4096xf32>
    %select_n3A_99 = arith.select %eq3A_96, %broadcast_in_dim3A_98, %select_n3A_77 : vector<256x4096xi1>, vector<256x4096xf32>
    %reduce_min3A_100 = arith.constant dense<0x7F800000> : vector<256xf32>
    %reduce_min3A_101 = vector.multi_reduction <minimumf>, %select_n3A_99, %reduce_min3A_100 [1] : vector<256x4096xf32> to vector<256xf32>
    %broadcast_in_dim3A_102 = vector.shape_cast %reduce_min3A_101 : vector<256xf32> to vector<256x1xf32>
    %eq3A_103 = vector.broadcast %broadcast_in_dim3A_102 : vector<256x1xf32> to vector<256x4096xf32>
    %eq3A_104 = arith.cmpf oeq, %select_n3A_99, %eq3A_103 : vector<256x4096xf32>
    %jit3A_105 = arith.constant 1073741824 : i32
    %broadcast_in_dim3A_106 = vector.broadcast %jit3A_105 : i32 to vector<256x4096xi32>
    %select_n3A_107 = arith.select %eq3A_104, %iota3A, %broadcast_in_dim3A_106 : vector<256x4096xi1>, vector<256x4096xi32>
    %reduce_min3A_108 = arith.constant dense<2147483647> : vector<256xi32>
    %reduce_min3A_109 = vector.multi_reduction <minsi>, %select_n3A_107, %reduce_min3A_108 [1] : vector<256x4096xi32> to vector<256xi32>
    %broadcast_in_dim3A_110 = vector.shape_cast %reduce_min3A_109 : vector<256xi32> to vector<256x1xi32>
    %swap3A_111 = arith.constant 0 : index
    %swap3A_112 = arith.constant 2 : index
    %swap3A_113 = vector.load %arg3[%swap3A_111, %swap3A_112] : memref<256x8xf32, #tpu.memory_space<vmem>>, vector<256x1xf32>
    tpu.vector_store %arg3[%swap3A_111, %swap3A_112], %broadcast_in_dim3A_102 {strides = array<i32>} : memref<256x8xf32, #tpu.memory_space<vmem>>, vector<256x1xf32>,
    %swap3A_114 = arith.constant 0 : index
    %swap3A_115 = arith.constant 2 : index
    %swap3A_116 = vector.load %arg4[%swap3A_114, %swap3A_115] : memref<256x8xi32, #tpu.memory_space<vmem>>, vector<256x1xi32>
    tpu.vector_store %arg4[%swap3A_114, %swap3A_115], %broadcast_in_dim3A_110 {strides = array<i32>} : memref<256x8xi32, #tpu.memory_space<vmem>>, vector<256x1xi32>,
    %eq3A_117 = vector.broadcast %broadcast_in_dim3A_110 : vector<256x1xi32> to vector<256x4096xi32>
    %eq3A_118 = arith.cmpi eq, %iota3A, %eq3A_117 : vector<256x4096xi32>
    %jit3A_119 = arith.constant 0x7F800000 : f32
    %broadcast_in_dim3A_120 = vector.broadcast %jit3A_119 : f32 to vector<256x4096xf32>
    %select_n3A_121 = arith.select %eq3A_118, %broadcast_in_dim3A_120, %select_n3A_99 : vector<256x4096xi1>, vector<256x4096xf32>
    %reduce_min3A_122 = arith.constant dense<0x7F800000> : vector<256xf32>
    %reduce_min3A_123 = vector.multi_reduction <minimumf>, %select_n3A_121, %reduce_min3A_122 [1] : vector<256x4096xf32> to vector<256xf32>
    %broadcast_in_dim3A_124 = vector.shape_cast %reduce_min3A_123 : vector<256xf32> to vector<256x1xf32>
    %eq3A_125 = vector.broadcast %broadcast_in_dim3A_124 : vector<256x1xf32> to vector<256x4096xf32>
    %eq3A_126 = arith.cmpf oeq, %select_n3A_121, %eq3A_125 : vector<256x4096xf32>
    %jit3A_127 = arith.constant 1073741824 : i32
    %broadcast_in_dim3A_128 = vector.broadcast %jit3A_127 : i32 to vector<256x4096xi32>
    %select_n3A_129 = arith.select %eq3A_126, %iota3A, %broadcast_in_dim3A_128 : vector<256x4096xi1>, vector<256x4096xi32>
    %reduce_min3A_130 = arith.constant dense<2147483647> : vector<256xi32>
    %reduce_min3A_131 = vector.multi_reduction <minsi>, %select_n3A_129, %reduce_min3A_130 [1] : vector<256x4096xi32> to vector<256xi32>
    %broadcast_in_dim3A_132 = vector.shape_cast %reduce_min3A_131 : vector<256xi32> to vector<256x1xi32>
    %swap3A_133 = arith.constant 0 : index
    %swap3A_134 = arith.constant 3 : index
    %swap3A_135 = vector.load %arg3[%swap3A_133, %swap3A_134] : memref<256x8xf32, #tpu.memory_space<vmem>>, vector<256x1xf32>
    tpu.vector_store %arg3[%swap3A_133, %swap3A_134], %broadcast_in_dim3A_124 {strides = array<i32>} : memref<256x8xf32, #tpu.memory_space<vmem>>, vector<256x1xf32>,
    %swap3A_136 = arith.constant 0 : index
    %swap3A_137 = arith.constant 3 : index
    %swap3A_138 = vector.load %arg4[%swap3A_136, %swap3A_137] : memref<256x8xi32, #tpu.memory_space<vmem>>, vector<256x1xi32>
    tpu.vector_store %arg4[%swap3A_136, %swap3A_137], %broadcast_in_dim3A_132 {strides = array<i32>} : memref<256x8xi32, #tpu.memory_space<vmem>>, vector<256x1xi32>,
    %eq3A_139 = vector.broadcast %broadcast_in_dim3A_132 : vector<256x1xi32> to vector<256x4096xi32>
    %eq3A_140 = arith.cmpi eq, %iota3A, %eq3A_139 : vector<256x4096xi32>
    %jit3A_141 = arith.constant 0x7F800000 : f32
    %broadcast_in_dim3A_142 = vector.broadcast %jit3A_141 : f32 to vector<256x4096xf32>
    %select_n3A_143 = arith.select %eq3A_140, %broadcast_in_dim3A_142, %select_n3A_121 : vector<256x4096xi1>, vector<256x4096xf32>
    %reduce_min3A_144 = arith.constant dense<0x7F800000> : vector<256xf32>
    %reduce_min3A_145 = vector.multi_reduction <minimumf>, %select_n3A_143, %reduce_min3A_144 [1] : vector<256x4096xf32> to vector<256xf32>
    %broadcast_in_dim3A_146 = vector.shape_cast %reduce_min3A_145 : vector<256xf32> to vector<256x1xf32>
    %eq3A_147 = vector.broadcast %broadcast_in_dim3A_146 : vector<256x1xf32> to vector<256x4096xf32>
    %eq3A_148 = arith.cmpf oeq, %select_n3A_143, %eq3A_147 : vector<256x4096xf32>
    %jit3A_149 = arith.constant 1073741824 : i32
    %broadcast_in_dim3A_150 = vector.broadcast %jit3A_149 : i32 to vector<256x4096xi32>
    %select_n3A_151 = arith.select %eq3A_148, %iota3A, %broadcast_in_dim3A_150 : vector<256x4096xi1>, vector<256x4096xi32>
    %reduce_min3A_152 = arith.constant dense<2147483647> : vector<256xi32>
    %reduce_min3A_153 = vector.multi_reduction <minsi>, %select_n3A_151, %reduce_min3A_152 [1] : vector<256x4096xi32> to vector<256xi32>
    %broadcast_in_dim3A_154 = vector.shape_cast %reduce_min3A_153 : vector<256xi32> to vector<256x1xi32>
    %swap3A_155 = arith.constant 0 : index
    %swap3A_156 = arith.constant 4 : index
    %swap3A_157 = vector.load %arg3[%swap3A_155, %swap3A_156] : memref<256x8xf32, #tpu.memory_space<vmem>>, vector<256x1xf32>
    tpu.vector_store %arg3[%swap3A_155, %swap3A_156], %broadcast_in_dim3A_146 {strides = array<i32>} : memref<256x8xf32, #tpu.memory_space<vmem>>, vector<256x1xf32>,
    %swap3A_158 = arith.constant 0 : index
    %swap3A_159 = arith.constant 4 : index
    %swap3A_160 = vector.load %arg4[%swap3A_158, %swap3A_159] : memref<256x8xi32, #tpu.memory_space<vmem>>, vector<256x1xi32>
    tpu.vector_store %arg4[%swap3A_158, %swap3A_159], %broadcast_in_dim3A_154 {strides = array<i32>} : memref<256x8xi32, #tpu.memory_space<vmem>>, vector<256x1xi32>,
    %eq3A_161 = vector.broadcast %broadcast_in_dim3A_154 : vector<256x1xi32> to vector<256x4096xi32>
    %eq3A_162 = arith.cmpi eq, %iota3A, %eq3A_161 : vector<256x4096xi32>
    %jit3A_163 = arith.constant 0x7F800000 : f32
    %broadcast_in_dim3A_164 = vector.broadcast %jit3A_163 : f32 to vector<256x4096xf32>
    %select_n3A_165 = arith.select %eq3A_162, %broadcast_in_dim3A_164, %select_n3A_143 : vector<256x4096xi1>, vector<256x4096xf32>
    %reduce_min3A_166 = arith.constant dense<0x7F800000> : vector<256xf32>
    %reduce_min3A_167 = vector.multi_reduction <minimumf>, %select_n3A_165, %reduce_min3A_166 [1] : vector<256x4096xf32> to vector<256xf32>
    %broadcast_in_dim3A_168 = vector.shape_cast %reduce_min3A_167 : vector<256xf32> to vector<256x1xf32>
    %eq3A_169 = vector.broadcast %broadcast_in_dim3A_168 : vector<256x1xf32> to vector<256x4096xf32>
    %eq3A_170 = arith.cmpf oeq, %select_n3A_165, %eq3A_169 : vector<256x4096xf32>
    %jit3A_171 = arith.constant 1073741824 : i32
    %broadcast_in_dim3A_172 = vector.broadcast %jit3A_171 : i32 to vector<256x4096xi32>
    %select_n3A_173 = arith.select %eq3A_170, %iota3A, %broadcast_in_dim3A_172 : vector<256x4096xi1>, vector<256x4096xi32>
    %reduce_min3A_174 = arith.constant dense<2147483647> : vector<256xi32>
    %reduce_min3A_175 = vector.multi_reduction <minsi>, %select_n3A_173, %reduce_min3A_174 [1] : vector<256x4096xi32> to vector<256xi32>
    %broadcast_in_dim3A_176 = vector.shape_cast %reduce_min3A_175 : vector<256xi32> to vector<256x1xi32>
    %swap3A_177 = arith.constant 0 : index
    %swap3A_178 = arith.constant 5 : index
    %swap3A_179 = vector.load %arg3[%swap3A_177, %swap3A_178] : memref<256x8xf32, #tpu.memory_space<vmem>>, vector<256x1xf32>
    tpu.vector_store %arg3[%swap3A_177, %swap3A_178], %broadcast_in_dim3A_168 {strides = array<i32>} : memref<256x8xf32, #tpu.memory_space<vmem>>, vector<256x1xf32>,
    %swap3A_180 = arith.constant 0 : index
    %swap3A_181 = arith.constant 5 : index
    %swap3A_182 = vector.load %arg4[%swap3A_180, %swap3A_181] : memref<256x8xi32, #tpu.memory_space<vmem>>, vector<256x1xi32>
    tpu.vector_store %arg4[%swap3A_180, %swap3A_181], %broadcast_in_dim3A_176 {strides = array<i32>} : memref<256x8xi32, #tpu.memory_space<vmem>>, vector<256x1xi32>,
    %eq3A_183 = vector.broadcast %broadcast_in_dim3A_176 : vector<256x1xi32> to vector<256x4096xi32>
    %eq3A_184 = arith.cmpi eq, %iota3A, %eq3A_183 : vector<256x4096xi32>
    %jit3A_185 = arith.constant 0x7F800000 : f32
    %broadcast_in_dim3A_186 = vector.broadcast %jit3A_185 : f32 to vector<256x4096xf32>
    %select_n3A_187 = arith.select %eq3A_184, %broadcast_in_dim3A_186, %select_n3A_165 : vector<256x4096xi1>, vector<256x4096xf32>
    %reduce_min3A_188 = arith.constant dense<0x7F800000> : vector<256xf32>
    %reduce_min3A_189 = vector.multi_reduction <minimumf>, %select_n3A_187, %reduce_min3A_188 [1] : vector<256x4096xf32> to vector<256xf32>
    %broadcast_in_dim3A_190 = vector.shape_cast %reduce_min3A_189 : vector<256xf32> to vector<256x1xf32>
    %eq3A_191 = vector.broadcast %broadcast_in_dim3A_190 : vector<256x1xf32> to vector<256x4096xf32>
    %eq3A_192 = arith.cmpf oeq, %select_n3A_187, %eq3A_191 : vector<256x4096xf32>
    %jit3A_193 = arith.constant 1073741824 : i32
    %broadcast_in_dim3A_194 = vector.broadcast %jit3A_193 : i32 to vector<256x4096xi32>
    %select_n3A_195 = arith.select %eq3A_192, %iota3A, %broadcast_in_dim3A_194 : vector<256x4096xi1>, vector<256x4096xi32>
    %reduce_min3A_196 = arith.constant dense<2147483647> : vector<256xi32>
    %reduce_min3A_197 = vector.multi_reduction <minsi>, %select_n3A_195, %reduce_min3A_196 [1] : vector<256x4096xi32> to vector<256xi32>
    %broadcast_in_dim3A_198 = vector.shape_cast %reduce_min3A_197 : vector<256xi32> to vector<256x1xi32>
    %swap3A_199 = arith.constant 0 : index
    %swap3A_200 = arith.constant 6 : index
    %swap3A_201 = vector.load %arg3[%swap3A_199, %swap3A_200] : memref<256x8xf32, #tpu.memory_space<vmem>>, vector<256x1xf32>
    tpu.vector_store %arg3[%swap3A_199, %swap3A_200], %broadcast_in_dim3A_190 {strides = array<i32>} : memref<256x8xf32, #tpu.memory_space<vmem>>, vector<256x1xf32>,
    %swap3A_202 = arith.constant 0 : index
    %swap3A_203 = arith.constant 6 : index
    %swap3A_204 = vector.load %arg4[%swap3A_202, %swap3A_203] : memref<256x8xi32, #tpu.memory_space<vmem>>, vector<256x1xi32>
    tpu.vector_store %arg4[%swap3A_202, %swap3A_203], %broadcast_in_dim3A_198 {strides = array<i32>} : memref<256x8xi32, #tpu.memory_space<vmem>>, vector<256x1xi32>,
    %broadcast_in_dim3A_205 = arith.constant 0.000000e+00 : f32
    %broadcast_in_dim3A_206 = vector.broadcast %broadcast_in_dim3A_205 : f32 to vector<256x1xf32>
    %swap3A_207 = arith.constant 0 : index
    %swap3A_208 = arith.constant 7 : index
    %swap3A_209 = vector.load %arg3[%swap3A_207, %swap3A_208] : memref<256x8xf32, #tpu.memory_space<vmem>>, vector<256x1xf32>
    tpu.vector_store %arg3[%swap3A_207, %swap3A_208], %broadcast_in_dim3A_206 {strides = array<i32>} : memref<256x8xf32, #tpu.memory_space<vmem>>, vector<256x1xf32>,
    %broadcast_in_dim3A_210 = arith.constant 0 : i32
    %broadcast_in_dim3A_211 = vector.broadcast %broadcast_in_dim3A_210 : i32 to vector<256x1xi32>
    %swap3A_212 = arith.constant 0 : index
    %swap3A_213 = arith.constant 7 : index
    %swap3A_214 = vector.load %arg4[%swap3A_212, %swap3A_213] : memref<256x8xi32, #tpu.memory_space<vmem>>, vector<256x1xi32>
    tpu.vector_store %arg4[%swap3A_212, %swap3A_213], %broadcast_in_dim3A_211 {strides = array<i32>} : memref<256x8xi32, #tpu.memory_space<vmem>>, vector<256x1xi32>,
    return
  }
  func.func @transform_0(%arg0: i32) -> (i32, i32) {
    %c0_i32 = arith.constant 0 : i32
    %c0_i32_0 = arith.constant 0 : i32
    return %arg0, %c0_i32 : i32, i32
  }
  func.func @transform_1(%arg0: i32) -> (i32, i32) {
    %c0_i32 = arith.constant 0 : i32
    %c0_i32_0 = arith.constant 0 : i32
    %c0_i32_1 = arith.constant 0 : i32
    return %c0_i32, %c0_i32_0 : i32, i32
  }
  func.func @transform_2(%arg0: i32) -> (i32, i32) {
    %c0_i32 = arith.constant 0 : i32
    %c0_i32_0 = arith.constant 0 : i32
    return %arg0, %c0_i32 : i32, i32
  }
  func.func @transform_3(%arg0: i32) -> (i32, i32) {
    %c0_i32 = arith.constant 0 : i32
    %c0_i32_0 = arith.constant 0 : i32
    return %arg0, %c0_i32 : i32, i32
  }
}

module attributes {stable_mosaic.version = 14 : i64} {
  func.func @_knn_kernel(%arg0: i32, %arg1: memref<256x8xf32, #tpu.memory_space<vmem>>, %arg2: memref<8x12288xf32, #tpu.memory_space<vmem>>, %arg3: memref<256x8xf32, #tpu.memory_space<vmem>>, %arg4: memref<256x8xi32, #tpu.memory_space<vmem>>) attributes {dimension_semantics = [#tpu.dimension_semantics<arbitrary>], iteration_bounds = array<i64: 16>, scalar_prefetch = 0 : i64, scratch_operands = 0 : i64, tpu.core_type = #tpu.core_type<tc>, window_params = [{transform_indices = @transform_0, window_bounds = array<i64: 256, 8>}, {pipeline_mode = #tpu.pipeline_mode<synchronous>, transform_indices = @transform_1, window_bounds = array<i64: 8, 12288>}, {transform_indices = @transform_2, window_bounds = array<i64: 256, 8>}, {transform_indices = @transform_3, window_bounds = array<i64: 256, 8>}]} {
    %get3A = arith.constant 0 : index
    %get3A_0 = arith.constant 0 : index
    %get3A_1 = vector.load %arg1[%get3A, %get3A_0] : memref<256x8xf32, #tpu.memory_space<vmem>>, vector<256x1xf32>
    %get3A_2 = arith.constant 0 : index
    %get3A_3 = arith.constant 1 : index
    %get3A_4 = vector.load %arg1[%get3A_2, %get3A_3] : memref<256x8xf32, #tpu.memory_space<vmem>>, vector<256x1xf32>
    %get3A_5 = arith.constant 0 : index
    %get3A_6 = arith.constant 2 : index
    %get3A_7 = vector.load %arg1[%get3A_5, %get3A_6] : memref<256x8xf32, #tpu.memory_space<vmem>>, vector<256x1xf32>
    %get3A_8 = arith.constant 0 : index
    %get3A_9 = arith.constant 0 : index
    %get3A_10 = vector.load %arg2[%get3A_8, %get3A_9] : memref<8x12288xf32, #tpu.memory_space<vmem>>, vector<1x12288xf32>
    %get3A_11 = arith.constant 1 : index
    %get3A_12 = arith.constant 0 : index
    %get3A_13 = vector.load %arg2[%get3A_11, %get3A_12] : memref<8x12288xf32, #tpu.memory_space<vmem>>, vector<1x12288xf32>
    %get3A_14 = arith.constant 2 : index
    %get3A_15 = arith.constant 0 : index
    %get3A_16 = vector.load %arg2[%get3A_14, %get3A_15] : memref<8x12288xf32, #tpu.memory_space<vmem>>, vector<1x12288xf32>
    %mul3A = arith.mulf %get3A_1, %get3A_1 : vector<256x1xf32>
    %mul3A_17 = arith.mulf %get3A_4, %get3A_4 : vector<256x1xf32>
    %add3A = arith.addf %mul3A, %mul3A_17 : vector<256x1xf32>
    %mul3A_18 = arith.mulf %get3A_7, %get3A_7 : vector<256x1xf32>
    %add3A_19 = arith.addf %add3A, %mul3A_18 : vector<256x1xf32>
    %mul3A_20 = arith.mulf %get3A_10, %get3A_10 : vector<1x12288xf32>
    %mul3A_21 = arith.mulf %get3A_13, %get3A_13 : vector<1x12288xf32>
    %add3A_22 = arith.addf %mul3A_20, %mul3A_21 : vector<1x12288xf32>
    %mul3A_23 = arith.mulf %get3A_16, %get3A_16 : vector<1x12288xf32>
    %add3A_24 = arith.addf %add3A_22, %mul3A_23 : vector<1x12288xf32>
    %convert_element_type3A = arith.truncf %get3A_1 : vector<256x1xf32> to vector<256x1xbf16>
    %convert_element_type3A_25 = arith.extf %convert_element_type3A : vector<256x1xbf16> to vector<256x1xf32>
    %convert_element_type3A_26 = arith.truncf %get3A_10 : vector<1x12288xf32> to vector<1x12288xbf16>
    %convert_element_type3A_27 = arith.extf %convert_element_type3A_26 : vector<1x12288xbf16> to vector<1x12288xf32>
    %mul3A_28 = vector.broadcast %convert_element_type3A_25 : vector<256x1xf32> to vector<256x12288xf32>
    %mul3A_29 = vector.broadcast %convert_element_type3A_27 : vector<1x12288xf32> to vector<256x12288xf32>
    %mul3A_30 = arith.mulf %mul3A_28, %mul3A_29 : vector<256x12288xf32>
    %convert_element_type3A_31 = arith.truncf %get3A_4 : vector<256x1xf32> to vector<256x1xbf16>
    %convert_element_type3A_32 = arith.extf %convert_element_type3A_31 : vector<256x1xbf16> to vector<256x1xf32>
    %convert_element_type3A_33 = arith.truncf %get3A_13 : vector<1x12288xf32> to vector<1x12288xbf16>
    %convert_element_type3A_34 = arith.extf %convert_element_type3A_33 : vector<1x12288xbf16> to vector<1x12288xf32>
    %mul3A_35 = vector.broadcast %convert_element_type3A_32 : vector<256x1xf32> to vector<256x12288xf32>
    %mul3A_36 = vector.broadcast %convert_element_type3A_34 : vector<1x12288xf32> to vector<256x12288xf32>
    %mul3A_37 = arith.mulf %mul3A_35, %mul3A_36 : vector<256x12288xf32>
    %add3A_38 = arith.addf %mul3A_30, %mul3A_37 : vector<256x12288xf32>
    %convert_element_type3A_39 = arith.truncf %get3A_7 : vector<256x1xf32> to vector<256x1xbf16>
    %convert_element_type3A_40 = arith.extf %convert_element_type3A_39 : vector<256x1xbf16> to vector<256x1xf32>
    %convert_element_type3A_41 = arith.truncf %get3A_16 : vector<1x12288xf32> to vector<1x12288xbf16>
    %convert_element_type3A_42 = arith.extf %convert_element_type3A_41 : vector<1x12288xbf16> to vector<1x12288xf32>
    %mul3A_43 = vector.broadcast %convert_element_type3A_40 : vector<256x1xf32> to vector<256x12288xf32>
    %mul3A_44 = vector.broadcast %convert_element_type3A_42 : vector<1x12288xf32> to vector<256x12288xf32>
    %mul3A_45 = arith.mulf %mul3A_43, %mul3A_44 : vector<256x12288xf32>
    %add3A_46 = arith.addf %add3A_38, %mul3A_45 : vector<256x12288xf32>
    %mul3A_47 = arith.constant 2.000000e+00 : f32
    %mul3A_48 = vector.broadcast %mul3A_47 : f32 to vector<256x12288xf32>
    %mul3A_49 = arith.mulf %mul3A_48, %add3A_46 : vector<256x12288xf32>
    %sub3A = vector.broadcast %add3A_19 : vector<256x1xf32> to vector<256x12288xf32>
    %sub3A_50 = arith.subf %sub3A, %mul3A_49 : vector<256x12288xf32>
    %add3A_51 = vector.broadcast %add3A_24 : vector<1x12288xf32> to vector<256x12288xf32>
    %add3A_52 = arith.addf %sub3A_50, %add3A_51 : vector<256x12288xf32>
    %iota3A = tpu.iota {dimensions = array<i32: 1>} : vector<256x12288xi32>
    %reduce_min3A = arith.constant dense<0x7F800000> : vector<256xf32>
    %reduce_min3A_53 = vector.multi_reduction <minimumf>, %add3A_52, %reduce_min3A [1] : vector<256x12288xf32> to vector<256xf32>
    %broadcast_in_dim3A = vector.shape_cast %reduce_min3A_53 : vector<256xf32> to vector<256x1xf32>
    %eq3A = vector.broadcast %broadcast_in_dim3A : vector<256x1xf32> to vector<256x12288xf32>
    %eq3A_54 = arith.cmpf oeq, %add3A_52, %eq3A : vector<256x12288xf32>
    %jit3A = arith.constant 1073741824 : i32
    %broadcast_in_dim3A_55 = vector.broadcast %jit3A : i32 to vector<256x12288xi32>
    %select_n3A = arith.select %eq3A_54, %iota3A, %broadcast_in_dim3A_55 : vector<256x12288xi1>, vector<256x12288xi32>
    %reduce_min3A_56 = arith.constant dense<2147483647> : vector<256xi32>
    %reduce_min3A_57 = vector.multi_reduction <minsi>, %select_n3A, %reduce_min3A_56 [1] : vector<256x12288xi32> to vector<256xi32>
    %broadcast_in_dim3A_58 = vector.shape_cast %reduce_min3A_57 : vector<256xi32> to vector<256x1xi32>
    %swap3A = arith.constant 0 : index
    %swap3A_59 = arith.constant 0 : index
    %swap3A_60 = vector.load %arg3[%swap3A, %swap3A_59] : memref<256x8xf32, #tpu.memory_space<vmem>>, vector<256x1xf32>
    tpu.vector_store %arg3[%swap3A, %swap3A_59], %broadcast_in_dim3A {strides = array<i32>} : memref<256x8xf32, #tpu.memory_space<vmem>>, vector<256x1xf32>,
    %swap3A_61 = arith.constant 0 : index
    %swap3A_62 = arith.constant 0 : index
    %swap3A_63 = vector.load %arg4[%swap3A_61, %swap3A_62] : memref<256x8xi32, #tpu.memory_space<vmem>>, vector<256x1xi32>
    tpu.vector_store %arg4[%swap3A_61, %swap3A_62], %broadcast_in_dim3A_58 {strides = array<i32>} : memref<256x8xi32, #tpu.memory_space<vmem>>, vector<256x1xi32>,
    %eq3A_64 = vector.broadcast %broadcast_in_dim3A_58 : vector<256x1xi32> to vector<256x12288xi32>
    %eq3A_65 = arith.cmpi eq, %iota3A, %eq3A_64 : vector<256x12288xi32>
    %jit3A_66 = arith.constant 0x7F800000 : f32
    %broadcast_in_dim3A_67 = vector.broadcast %jit3A_66 : f32 to vector<256x12288xf32>
    %select_n3A_68 = arith.select %eq3A_65, %broadcast_in_dim3A_67, %add3A_52 : vector<256x12288xi1>, vector<256x12288xf32>
    %reduce_min3A_69 = arith.constant dense<0x7F800000> : vector<256xf32>
    %reduce_min3A_70 = vector.multi_reduction <minimumf>, %select_n3A_68, %reduce_min3A_69 [1] : vector<256x12288xf32> to vector<256xf32>
    %broadcast_in_dim3A_71 = vector.shape_cast %reduce_min3A_70 : vector<256xf32> to vector<256x1xf32>
    %eq3A_72 = vector.broadcast %broadcast_in_dim3A_71 : vector<256x1xf32> to vector<256x12288xf32>
    %eq3A_73 = arith.cmpf oeq, %select_n3A_68, %eq3A_72 : vector<256x12288xf32>
    %jit3A_74 = arith.constant 1073741824 : i32
    %broadcast_in_dim3A_75 = vector.broadcast %jit3A_74 : i32 to vector<256x12288xi32>
    %select_n3A_76 = arith.select %eq3A_73, %iota3A, %broadcast_in_dim3A_75 : vector<256x12288xi1>, vector<256x12288xi32>
    %reduce_min3A_77 = arith.constant dense<2147483647> : vector<256xi32>
    %reduce_min3A_78 = vector.multi_reduction <minsi>, %select_n3A_76, %reduce_min3A_77 [1] : vector<256x12288xi32> to vector<256xi32>
    %broadcast_in_dim3A_79 = vector.shape_cast %reduce_min3A_78 : vector<256xi32> to vector<256x1xi32>
    %swap3A_80 = arith.constant 0 : index
    %swap3A_81 = arith.constant 1 : index
    %swap3A_82 = vector.load %arg3[%swap3A_80, %swap3A_81] : memref<256x8xf32, #tpu.memory_space<vmem>>, vector<256x1xf32>
    tpu.vector_store %arg3[%swap3A_80, %swap3A_81], %broadcast_in_dim3A_71 {strides = array<i32>} : memref<256x8xf32, #tpu.memory_space<vmem>>, vector<256x1xf32>,
    %swap3A_83 = arith.constant 0 : index
    %swap3A_84 = arith.constant 1 : index
    %swap3A_85 = vector.load %arg4[%swap3A_83, %swap3A_84] : memref<256x8xi32, #tpu.memory_space<vmem>>, vector<256x1xi32>
    tpu.vector_store %arg4[%swap3A_83, %swap3A_84], %broadcast_in_dim3A_79 {strides = array<i32>} : memref<256x8xi32, #tpu.memory_space<vmem>>, vector<256x1xi32>,
    %eq3A_86 = vector.broadcast %broadcast_in_dim3A_79 : vector<256x1xi32> to vector<256x12288xi32>
    %eq3A_87 = arith.cmpi eq, %iota3A, %eq3A_86 : vector<256x12288xi32>
    %jit3A_88 = arith.constant 0x7F800000 : f32
    %broadcast_in_dim3A_89 = vector.broadcast %jit3A_88 : f32 to vector<256x12288xf32>
    %select_n3A_90 = arith.select %eq3A_87, %broadcast_in_dim3A_89, %select_n3A_68 : vector<256x12288xi1>, vector<256x12288xf32>
    %reduce_min3A_91 = arith.constant dense<0x7F800000> : vector<256xf32>
    %reduce_min3A_92 = vector.multi_reduction <minimumf>, %select_n3A_90, %reduce_min3A_91 [1] : vector<256x12288xf32> to vector<256xf32>
    %broadcast_in_dim3A_93 = vector.shape_cast %reduce_min3A_92 : vector<256xf32> to vector<256x1xf32>
    %eq3A_94 = vector.broadcast %broadcast_in_dim3A_93 : vector<256x1xf32> to vector<256x12288xf32>
    %eq3A_95 = arith.cmpf oeq, %select_n3A_90, %eq3A_94 : vector<256x12288xf32>
    %jit3A_96 = arith.constant 1073741824 : i32
    %broadcast_in_dim3A_97 = vector.broadcast %jit3A_96 : i32 to vector<256x12288xi32>
    %select_n3A_98 = arith.select %eq3A_95, %iota3A, %broadcast_in_dim3A_97 : vector<256x12288xi1>, vector<256x12288xi32>
    %reduce_min3A_99 = arith.constant dense<2147483647> : vector<256xi32>
    %reduce_min3A_100 = vector.multi_reduction <minsi>, %select_n3A_98, %reduce_min3A_99 [1] : vector<256x12288xi32> to vector<256xi32>
    %broadcast_in_dim3A_101 = vector.shape_cast %reduce_min3A_100 : vector<256xi32> to vector<256x1xi32>
    %swap3A_102 = arith.constant 0 : index
    %swap3A_103 = arith.constant 2 : index
    %swap3A_104 = vector.load %arg3[%swap3A_102, %swap3A_103] : memref<256x8xf32, #tpu.memory_space<vmem>>, vector<256x1xf32>
    tpu.vector_store %arg3[%swap3A_102, %swap3A_103], %broadcast_in_dim3A_93 {strides = array<i32>} : memref<256x8xf32, #tpu.memory_space<vmem>>, vector<256x1xf32>,
    %swap3A_105 = arith.constant 0 : index
    %swap3A_106 = arith.constant 2 : index
    %swap3A_107 = vector.load %arg4[%swap3A_105, %swap3A_106] : memref<256x8xi32, #tpu.memory_space<vmem>>, vector<256x1xi32>
    tpu.vector_store %arg4[%swap3A_105, %swap3A_106], %broadcast_in_dim3A_101 {strides = array<i32>} : memref<256x8xi32, #tpu.memory_space<vmem>>, vector<256x1xi32>,
    %eq3A_108 = vector.broadcast %broadcast_in_dim3A_101 : vector<256x1xi32> to vector<256x12288xi32>
    %eq3A_109 = arith.cmpi eq, %iota3A, %eq3A_108 : vector<256x12288xi32>
    %jit3A_110 = arith.constant 0x7F800000 : f32
    %broadcast_in_dim3A_111 = vector.broadcast %jit3A_110 : f32 to vector<256x12288xf32>
    %select_n3A_112 = arith.select %eq3A_109, %broadcast_in_dim3A_111, %select_n3A_90 : vector<256x12288xi1>, vector<256x12288xf32>
    %reduce_min3A_113 = arith.constant dense<0x7F800000> : vector<256xf32>
    %reduce_min3A_114 = vector.multi_reduction <minimumf>, %select_n3A_112, %reduce_min3A_113 [1] : vector<256x12288xf32> to vector<256xf32>
    %broadcast_in_dim3A_115 = vector.shape_cast %reduce_min3A_114 : vector<256xf32> to vector<256x1xf32>
    %eq3A_116 = vector.broadcast %broadcast_in_dim3A_115 : vector<256x1xf32> to vector<256x12288xf32>
    %eq3A_117 = arith.cmpf oeq, %select_n3A_112, %eq3A_116 : vector<256x12288xf32>
    %jit3A_118 = arith.constant 1073741824 : i32
    %broadcast_in_dim3A_119 = vector.broadcast %jit3A_118 : i32 to vector<256x12288xi32>
    %select_n3A_120 = arith.select %eq3A_117, %iota3A, %broadcast_in_dim3A_119 : vector<256x12288xi1>, vector<256x12288xi32>
    %reduce_min3A_121 = arith.constant dense<2147483647> : vector<256xi32>
    %reduce_min3A_122 = vector.multi_reduction <minsi>, %select_n3A_120, %reduce_min3A_121 [1] : vector<256x12288xi32> to vector<256xi32>
    %broadcast_in_dim3A_123 = vector.shape_cast %reduce_min3A_122 : vector<256xi32> to vector<256x1xi32>
    %swap3A_124 = arith.constant 0 : index
    %swap3A_125 = arith.constant 3 : index
    %swap3A_126 = vector.load %arg3[%swap3A_124, %swap3A_125] : memref<256x8xf32, #tpu.memory_space<vmem>>, vector<256x1xf32>
    tpu.vector_store %arg3[%swap3A_124, %swap3A_125], %broadcast_in_dim3A_115 {strides = array<i32>} : memref<256x8xf32, #tpu.memory_space<vmem>>, vector<256x1xf32>,
    %swap3A_127 = arith.constant 0 : index
    %swap3A_128 = arith.constant 3 : index
    %swap3A_129 = vector.load %arg4[%swap3A_127, %swap3A_128] : memref<256x8xi32, #tpu.memory_space<vmem>>, vector<256x1xi32>
    tpu.vector_store %arg4[%swap3A_127, %swap3A_128], %broadcast_in_dim3A_123 {strides = array<i32>} : memref<256x8xi32, #tpu.memory_space<vmem>>, vector<256x1xi32>,
    %eq3A_130 = vector.broadcast %broadcast_in_dim3A_123 : vector<256x1xi32> to vector<256x12288xi32>
    %eq3A_131 = arith.cmpi eq, %iota3A, %eq3A_130 : vector<256x12288xi32>
    %jit3A_132 = arith.constant 0x7F800000 : f32
    %broadcast_in_dim3A_133 = vector.broadcast %jit3A_132 : f32 to vector<256x12288xf32>
    %select_n3A_134 = arith.select %eq3A_131, %broadcast_in_dim3A_133, %select_n3A_112 : vector<256x12288xi1>, vector<256x12288xf32>
    %reduce_min3A_135 = arith.constant dense<0x7F800000> : vector<256xf32>
    %reduce_min3A_136 = vector.multi_reduction <minimumf>, %select_n3A_134, %reduce_min3A_135 [1] : vector<256x12288xf32> to vector<256xf32>
    %broadcast_in_dim3A_137 = vector.shape_cast %reduce_min3A_136 : vector<256xf32> to vector<256x1xf32>
    %eq3A_138 = vector.broadcast %broadcast_in_dim3A_137 : vector<256x1xf32> to vector<256x12288xf32>
    %eq3A_139 = arith.cmpf oeq, %select_n3A_134, %eq3A_138 : vector<256x12288xf32>
    %jit3A_140 = arith.constant 1073741824 : i32
    %broadcast_in_dim3A_141 = vector.broadcast %jit3A_140 : i32 to vector<256x12288xi32>
    %select_n3A_142 = arith.select %eq3A_139, %iota3A, %broadcast_in_dim3A_141 : vector<256x12288xi1>, vector<256x12288xi32>
    %reduce_min3A_143 = arith.constant dense<2147483647> : vector<256xi32>
    %reduce_min3A_144 = vector.multi_reduction <minsi>, %select_n3A_142, %reduce_min3A_143 [1] : vector<256x12288xi32> to vector<256xi32>
    %broadcast_in_dim3A_145 = vector.shape_cast %reduce_min3A_144 : vector<256xi32> to vector<256x1xi32>
    %swap3A_146 = arith.constant 0 : index
    %swap3A_147 = arith.constant 4 : index
    %swap3A_148 = vector.load %arg3[%swap3A_146, %swap3A_147] : memref<256x8xf32, #tpu.memory_space<vmem>>, vector<256x1xf32>
    tpu.vector_store %arg3[%swap3A_146, %swap3A_147], %broadcast_in_dim3A_137 {strides = array<i32>} : memref<256x8xf32, #tpu.memory_space<vmem>>, vector<256x1xf32>,
    %swap3A_149 = arith.constant 0 : index
    %swap3A_150 = arith.constant 4 : index
    %swap3A_151 = vector.load %arg4[%swap3A_149, %swap3A_150] : memref<256x8xi32, #tpu.memory_space<vmem>>, vector<256x1xi32>
    tpu.vector_store %arg4[%swap3A_149, %swap3A_150], %broadcast_in_dim3A_145 {strides = array<i32>} : memref<256x8xi32, #tpu.memory_space<vmem>>, vector<256x1xi32>,
    %eq3A_152 = vector.broadcast %broadcast_in_dim3A_145 : vector<256x1xi32> to vector<256x12288xi32>
    %eq3A_153 = arith.cmpi eq, %iota3A, %eq3A_152 : vector<256x12288xi32>
    %jit3A_154 = arith.constant 0x7F800000 : f32
    %broadcast_in_dim3A_155 = vector.broadcast %jit3A_154 : f32 to vector<256x12288xf32>
    %select_n3A_156 = arith.select %eq3A_153, %broadcast_in_dim3A_155, %select_n3A_134 : vector<256x12288xi1>, vector<256x12288xf32>
    %reduce_min3A_157 = arith.constant dense<0x7F800000> : vector<256xf32>
    %reduce_min3A_158 = vector.multi_reduction <minimumf>, %select_n3A_156, %reduce_min3A_157 [1] : vector<256x12288xf32> to vector<256xf32>
    %broadcast_in_dim3A_159 = vector.shape_cast %reduce_min3A_158 : vector<256xf32> to vector<256x1xf32>
    %eq3A_160 = vector.broadcast %broadcast_in_dim3A_159 : vector<256x1xf32> to vector<256x12288xf32>
    %eq3A_161 = arith.cmpf oeq, %select_n3A_156, %eq3A_160 : vector<256x12288xf32>
    %jit3A_162 = arith.constant 1073741824 : i32
    %broadcast_in_dim3A_163 = vector.broadcast %jit3A_162 : i32 to vector<256x12288xi32>
    %select_n3A_164 = arith.select %eq3A_161, %iota3A, %broadcast_in_dim3A_163 : vector<256x12288xi1>, vector<256x12288xi32>
    %reduce_min3A_165 = arith.constant dense<2147483647> : vector<256xi32>
    %reduce_min3A_166 = vector.multi_reduction <minsi>, %select_n3A_164, %reduce_min3A_165 [1] : vector<256x12288xi32> to vector<256xi32>
    %broadcast_in_dim3A_167 = vector.shape_cast %reduce_min3A_166 : vector<256xi32> to vector<256x1xi32>
    %swap3A_168 = arith.constant 0 : index
    %swap3A_169 = arith.constant 5 : index
    %swap3A_170 = vector.load %arg3[%swap3A_168, %swap3A_169] : memref<256x8xf32, #tpu.memory_space<vmem>>, vector<256x1xf32>
    tpu.vector_store %arg3[%swap3A_168, %swap3A_169], %broadcast_in_dim3A_159 {strides = array<i32>} : memref<256x8xf32, #tpu.memory_space<vmem>>, vector<256x1xf32>,
    %swap3A_171 = arith.constant 0 : index
    %swap3A_172 = arith.constant 5 : index
    %swap3A_173 = vector.load %arg4[%swap3A_171, %swap3A_172] : memref<256x8xi32, #tpu.memory_space<vmem>>, vector<256x1xi32>
    tpu.vector_store %arg4[%swap3A_171, %swap3A_172], %broadcast_in_dim3A_167 {strides = array<i32>} : memref<256x8xi32, #tpu.memory_space<vmem>>, vector<256x1xi32>,
    %eq3A_174 = vector.broadcast %broadcast_in_dim3A_167 : vector<256x1xi32> to vector<256x12288xi32>
    %eq3A_175 = arith.cmpi eq, %iota3A, %eq3A_174 : vector<256x12288xi32>
    %jit3A_176 = arith.constant 0x7F800000 : f32
    %broadcast_in_dim3A_177 = vector.broadcast %jit3A_176 : f32 to vector<256x12288xf32>
    %select_n3A_178 = arith.select %eq3A_175, %broadcast_in_dim3A_177, %select_n3A_156 : vector<256x12288xi1>, vector<256x12288xf32>
    %reduce_min3A_179 = arith.constant dense<0x7F800000> : vector<256xf32>
    %reduce_min3A_180 = vector.multi_reduction <minimumf>, %select_n3A_178, %reduce_min3A_179 [1] : vector<256x12288xf32> to vector<256xf32>
    %broadcast_in_dim3A_181 = vector.shape_cast %reduce_min3A_180 : vector<256xf32> to vector<256x1xf32>
    %eq3A_182 = vector.broadcast %broadcast_in_dim3A_181 : vector<256x1xf32> to vector<256x12288xf32>
    %eq3A_183 = arith.cmpf oeq, %select_n3A_178, %eq3A_182 : vector<256x12288xf32>
    %jit3A_184 = arith.constant 1073741824 : i32
    %broadcast_in_dim3A_185 = vector.broadcast %jit3A_184 : i32 to vector<256x12288xi32>
    %select_n3A_186 = arith.select %eq3A_183, %iota3A, %broadcast_in_dim3A_185 : vector<256x12288xi1>, vector<256x12288xi32>
    %reduce_min3A_187 = arith.constant dense<2147483647> : vector<256xi32>
    %reduce_min3A_188 = vector.multi_reduction <minsi>, %select_n3A_186, %reduce_min3A_187 [1] : vector<256x12288xi32> to vector<256xi32>
    %broadcast_in_dim3A_189 = vector.shape_cast %reduce_min3A_188 : vector<256xi32> to vector<256x1xi32>
    %swap3A_190 = arith.constant 0 : index
    %swap3A_191 = arith.constant 6 : index
    %swap3A_192 = vector.load %arg3[%swap3A_190, %swap3A_191] : memref<256x8xf32, #tpu.memory_space<vmem>>, vector<256x1xf32>
    tpu.vector_store %arg3[%swap3A_190, %swap3A_191], %broadcast_in_dim3A_181 {strides = array<i32>} : memref<256x8xf32, #tpu.memory_space<vmem>>, vector<256x1xf32>,
    %swap3A_193 = arith.constant 0 : index
    %swap3A_194 = arith.constant 6 : index
    %swap3A_195 = vector.load %arg4[%swap3A_193, %swap3A_194] : memref<256x8xi32, #tpu.memory_space<vmem>>, vector<256x1xi32>
    tpu.vector_store %arg4[%swap3A_193, %swap3A_194], %broadcast_in_dim3A_189 {strides = array<i32>} : memref<256x8xi32, #tpu.memory_space<vmem>>, vector<256x1xi32>,
    %broadcast_in_dim3A_196 = arith.constant 0.000000e+00 : f32
    %broadcast_in_dim3A_197 = vector.broadcast %broadcast_in_dim3A_196 : f32 to vector<256x1xf32>
    %swap3A_198 = arith.constant 0 : index
    %swap3A_199 = arith.constant 7 : index
    %swap3A_200 = vector.load %arg3[%swap3A_198, %swap3A_199] : memref<256x8xf32, #tpu.memory_space<vmem>>, vector<256x1xf32>
    tpu.vector_store %arg3[%swap3A_198, %swap3A_199], %broadcast_in_dim3A_197 {strides = array<i32>} : memref<256x8xf32, #tpu.memory_space<vmem>>, vector<256x1xf32>,
    %broadcast_in_dim3A_201 = arith.constant 0 : i32
    %broadcast_in_dim3A_202 = vector.broadcast %broadcast_in_dim3A_201 : i32 to vector<256x1xi32>
    %swap3A_203 = arith.constant 0 : index
    %swap3A_204 = arith.constant 7 : index
    %swap3A_205 = vector.load %arg4[%swap3A_203, %swap3A_204] : memref<256x8xi32, #tpu.memory_space<vmem>>, vector<256x1xi32>
    tpu.vector_store %arg4[%swap3A_203, %swap3A_204], %broadcast_in_dim3A_202 {strides = array<i32>} : memref<256x8xi32, #tpu.memory_space<vmem>>, vector<256x1xi32>,
    return
  }
  func.func @transform_0(%arg0: i32) -> (i32, i32) {
    %c0_i32 = arith.constant 0 : i32
    %c0_i32_0 = arith.constant 0 : i32
    return %arg0, %c0_i32 : i32, i32
  }
  func.func @transform_1(%arg0: i32) -> (i32, i32) {
    %c0_i32 = arith.constant 0 : i32
    %c0_i32_0 = arith.constant 0 : i32
    %c0_i32_1 = arith.constant 0 : i32
    return %c0_i32, %c0_i32_0 : i32, i32
  }
  func.func @transform_2(%arg0: i32) -> (i32, i32) {
    %c0_i32 = arith.constant 0 : i32
    %c0_i32_0 = arith.constant 0 : i32
    return %arg0, %c0_i32 : i32, i32
  }
  func.func @transform_3(%arg0: i32) -> (i32, i32) {
    %c0_i32 = arith.constant 0 : i32
    %c0_i32_0 = arith.constant 0 : i32
    return %arg0, %c0_i32 : i32, i32
  }
}

</mosaic_0001>

<sc_bundles>
// kernel: gather_offload_async_start.1
scs
__scs_entry_jumppad:
0x0: {  	(pc) =	sbr.rel $0x88, $3  }
0x1: {  	(tag) =	ssettag $0x0;
	lr =	simm.s32 $0x1  }
0x2: {  	[smem:$0x3F9F] =	sst lr;
	_ =	strace $0xD0000000  }
0x3: {  	_ = 	snop  }
0x4: {  	_ = 	snop  }
0x5: {  	_ = 	snop  }
0x6: {  	_ = 	snop  }
0x7: {  	_ = 	snop  }
__scs_overlays_trampoline_lowered:
0x8: {  	[smem:$0x3FAE] =	sst s0  }
0x9: {  	[smem:$0x3FAF] =	sst s1  }
0xa: {  	[smem:$0x3FB0] =	sst s2  }
0xb: {  	[smem:$0x3FB1] =	sst s3  }
0xc: {  	[smem:$0x3FB2] =	sst s4  }
0xd: {  	[smem:$0x3FB3] =	sst s5  }
0xe: {  	[smem:$0x3FB4] =	sst s6  }
0xf: {  	[smem:$0x3FB5] =	sst s7  }
0x10: {  	[smem:$0x3FB6] =	sst s8  }
0x11: {  	[smem:$0x3FB7] =	sst s9;
	s0 =	simm.s32 @!p0 $0x0  }
0x12: {  	s1 =	sld [smem:$0x3F9D];
	s0 =	simm.s32 @p0 $0x1  }
0x13: {  	[smem:$0x3FB8] =	sst s0;
	s0 =	simm.s32 @!p1 $0x0  }
0x14: {  	s2 =	sld [smem:$0x3F9C];
	s0 =	simm.s32 @p1 $0x1  }
0x15: {  	[smem:$0x3FB9] =	sst s0;
	s0 =	simm.s32 @!p2 $0x0  }
0x16: {  	s3 =	sld [smem:$0x3FDB];
	s0 =	simm.s32 @p2 $0x1  }
0x17: {  	s4 =	simm.s32 $0x1BF5;
	[smem:$0x3FBB] =	sst s0  }
0x18: {  	s0 =	sld [smem:$0x3F9E];
	_ =	swait.ge [sflag:s4], $0x0  }
0x19: {  	s7 =	sld [smem:$0x3F9F]  }
0x1a: {  	s8 =	sadd.s32 $0xFFFFE003, lr  }
0x1b: {  	s9 =	sadd.s32 $0xFFFFFEF7, lr;
	s5 =	simm.s32 $0xFFFFFFFF;
	p2 =	slt.u32 s8, $0xFFFFF086  }
0x1c: {  	p1 =	slt.u32 s9, $0xF7A;
	s5 =	simm.s32 @!p2 $0x0  }
0x1d: {  	s5 =	simm.s32 @p1 $0x1;
	p0 =	seq.s32 s7, s2  }
0x1e: {  	s7 =	smul.u32 @!p0 $0xF7A, s2;
	p2 =	seq.s32 @!p0 s5, $0x0  }
0x1f: {  	s9 =	smul.u32 $0xF7A, s1;
	s8 =	simm.s32 @!p0 $0x1BF5;
	p2 =	por !p2, p0  }
0x20: {  	[sflag:s8] =	ssyncset.s32 @!p0 $0xFFFFF086;
	s6 =	sadd.s32 @!p0 s3, s7;
	s7 =	simm.s32 @!p0 $0x108  }
0x21: {  	s3 =	sadd.s32 s3, s9;
	s6 =	sadd.s32 @!p0 $0x88, s6;
	s7 =	simm.s32 @p2 $0x1082  }
0x22: {  	[simem:s7], [sflag:s8] =	dma.local @!p0 [hbm:s6], $0xF7A  }
0x23: {  	s9 =	sor.u32 $0xD0000000, s2;
	s6 =	simm.s32 $0x108;
	_ =	swait.ge @!p0 [sflag:s8], $0x0  }
0x24: {  	s3 =	sadd.s32 $0x88, s3;
	s6 =	simm.s32 @!p1 $0x1082;
	[sflag:s4] =	ssyncset.s32 $0xFFFFF086  }
0x25: {  	[simem:s6], [sflag:s4] =	dma.local [hbm:s3], $0xF7A  }
0x26: {  	[smem:$0x3F9F] =	sst s1;
	(tag) =	ssettag s2;
	_ =	strace s9  }
0x27: {  	s1 =	sld [smem:$0x3FAF]  }
0x28: {  	s2 =	sld [smem:$0x3FB0]  }
0x29: {  	s4 =	sld [smem:$0x3FB2]  }
0x2a: {  	p0 =	seq.s32 s5, $0x0;
	s5 =	sld [smem:$0x3FB3]  }
0x2b: {  	s6 =	sld [smem:$0x3FB4]  }
0x2c: {  	s7 =	sld [smem:$0x3FB5]  }
0x2d: {  	s3 =	simm.s32 $0x108;
	s8 =	sld [smem:$0x3FB6]  }
0x2e: {  	s3 =	simm.s32 @!p0 $0x1082;
	s9 =	sld [smem:$0x3FB7]  }
0x2f: {  	lr =	sadd.s32 s0, s3;
	s0 =	sld [smem:$0x3FAE]  }
0x30: {  	s3 =	sld [smem:$0x3FB1]  }
0x31: {  	[smem:$0x3FBA] =	sst s10  }
0x32: {  	s10 =	sld [smem:$0x3FB8];
	_ =	sdelay $0x3  }
0x33: {  	p0 =	seq.s32 s10, $0x1;
	s10 =	sld [smem:$0x3FBA];
	_ =	sdelay $0x3  }
0x34: {  	[smem:$0x3FBA] =	sst s10  }
0x35: {  	s10 =	sld [smem:$0x3FB9];
	_ =	sdelay $0x3  }
0x36: {  	p1 =	seq.s32 s10, $0x1;
	s10 =	sld [smem:$0x3FBA];
	_ =	sdelay $0x3  }
0x37: {  	[smem:$0x3FBA] =	sst s10  }
0x38: {  	s10 =	sld [smem:$0x3FBB]  }
0x39: {  	_ = 	snop;
	(pc) =	sbr.ind lr, $3  }
0x3a: {  	_ = 	snop  }
0x3b: {  	_ = 	snop  }
0x3c: {  	p2 =	seq.s32 s10, $0x1;
	s10 =	sld [smem:$0x3FBA]  }
0x3d: {  	_ =	shalt  }
0x3e: {  	_ =	shalt  }
0x3f: {  	_ =	shalt  }
0x40: {  	_ =	shalt  }
0x41: {  	_ =	shalt  }
0x42: {  	_ =	shalt  }
0x43: {  	_ =	shalt  }
0x44: {  	_ =	shalt  }
0x45: {  	_ =	shalt  }
0x46: {  	_ =	shalt  }
0x47: {  	_ =	shalt  }
0x48: {  	_ =	shalt  }
0x49: {  	_ =	shalt  }
0x4a: {  	_ =	shalt  }
0x4b: {  	_ =	shalt  }
0x4c: {  	_ =	shalt  }
0x4d: {  	_ =	shalt  }
0x4e: {  	_ =	shalt  }
0x4f: {  	_ =	shalt  }
0x50: {  	_ =	shalt  }
0x51: {  	_ =	shalt  }
0x52: {  	_ =	shalt  }
0x53: {  	_ =	shalt  }
0x54: {  	_ =	shalt  }
0x55: {  	_ =	shalt  }
0x56: {  	_ =	shalt  }
0x57: {  	_ =	shalt  }
0x58: {  	_ =	shalt  }
0x59: {  	_ =	shalt  }
0x5a: {  	_ =	shalt  }
0x5b: {  	_ =	shalt  }
0x5c: {  	_ =	shalt  }
0x5d: {  	_ =	shalt  }
0x5e: {  	_ =	shalt  }
0x5f: {  	_ =	shalt  }
0x60: {  	_ =	shalt  }
0x61: {  	_ =	shalt  }
0x62: {  	_ =	shalt  }
0x63: {  	_ =	shalt  }
0x64: {  	_ =	shalt  }
0x65: {  	_ =	shalt  }
0x66: {  	_ =	shalt  }
0x67: {  	_ =	shalt  }
0x68: {  	_ =	shalt  }
0x69: {  	_ =	shalt  }
0x6a: {  	_ =	shalt  }
0x6b: {  	_ =	shalt  }
0x6c: {  	_ =	shalt  }
0x6d: {  	_ =	shalt  }
0x6e: {  	_ =	shalt  }
0x6f: {  	_ =	shalt  }
0x70: {  	_ =	shalt  }
0x71: {  	_ =	shalt  }
0x72: {  	_ =	shalt  }
0x73: {  	_ =	shalt  }
0x74: {  	_ =	shalt  }
0x75: {  	_ =	shalt  }
0x76: {  	_ =	shalt  }
0x77: {  	_ =	shalt  }
0x78: {  	_ =	shalt  }
0x79: {  	_ =	shalt  }
0x7a: {  	_ =	shalt  }
0x7b: {  	_ =	shalt  }
0x7c: {  	_ =	shalt  }
0x7d: {  	_ =	shalt  }
0x7e: {  	_ =	shalt  }
0x7f: {  	_ =	shalt  }
0x80: {  	_ =	shalt  }
0x81: {  	_ =	shalt  }
0x82: {  	_ =	shalt  }
0x83: {  	_ =	shalt  }
0x84: {  	_ =	shalt  }
0x85: {  	_ =	shalt  }
0x86: {  	_ =	shalt  }
0x87: {  	_ =	shalt  }
.Lfunc_end0:
.L_simem_size_0:
called_computation.1_lowered:
.L_overlay_start_0:
0x88: {  	s2 =	sld [smem:$0x3FD9]  }
0x89: {  	s3 =	sld [smem:$0x3FFE];
	_ =	sdelay $0x1  }
0x8a: {  	s1 =	srdreg.scid  }
0x8b: {  	s0 =	sand.u32 $0x1, s1  }
0x8c: {  	s14 =	sshll.u32 s0, $0xA;
	s2 =	sadd.s32 s3, s2  }
0x8d: {  	s2 =	sadd.s32 s2, s14  }
0x8e: {  	[smem:$0x3FC6] =	sst s2  }
0x8f: {  	_ = 	snop  }
0x90: {  	s2 =	sld [smem:$0x3FD0];
	_ =	sdelay $0x2  }
0x91: {  	s15 =	simm.s32 $0xA;
	s4 =	simm.s32 $0x10  }
0x92: {  	[smem:s4], [sflag:s15] =	dma.local [hbm:s2], $0x1  }
0x93: {  	_ =	swait.eq [sflag:s15], $0x1  }
0x94: {  	[sflag:s15] =	ssyncset.done $0x0  }
0x95: {  	s16 =	sld [smem:$0x10];
	[sflag:s15] =	ssyncadd.s32 $0xFFFFFFFF  }
0x96: {  	s17 =	sld [smem:$0x14];
	(tm) =	ssettm $0x1  }
0x97: {  	s18 =	sld [smem:$0x3FFB];
	_ =	sdelay $0x3  }
0x98: {  	_ =	strace s18  }
0x99: {  	s4 =	sld [smem:$0x3FFC];
	_ =	sdelay $0x3  }
0x9a: {  	_ =	strace s4  }
0x9b: {  	s4 =	sld [smem:$0x3FFD];
	_ =	sdelay $0x3  }
0x9c: {  	_ =	strace s4  }
0x9d: {  	_ =	strace $0x8FFFFFFF  }
0x9e: {  	s19 =	sld [smem:$0x3FDB];
	_ =	sdelay $0x1  }
0x9f: {  	s5 =	simm.s32 $_scs_section_size  }
0xa0: {  	s6 =	simm.s32 $_size__tile_overlayer_lowered;
	s7 =	simm.s32 $_tile_overlayer_lowered  }
0xa1: {  	s22 =	simm.s32 $0x1BFF;
	s21 =	sshll.u32 s7, $0x1;
	s4 =	sadd.s32 s5, s19  }
0xa2: {  	s8 =	simm.s32 $0x0;
	s20 =	sshll.u32 s6, $0x1;
	s6 =	sadd.s32 s21, s4  }
0xa3: {  	[timem:s8], [sflag:s22] =	dma.local [hbm:s6], s20  }
0xa4: {  	_ =	swait.ge [sflag:s22], s20  }
0xa5: {  	s5 =	ssub.s32 $0x0, s20;
	[sflag:s22] =	ssyncset.done $0x0  }
0xa6: {  	[sflag:s22] =	ssyncadd.s32 s5;
	_ =	sdelay $0x1  }
0xa7: {  	s23 =	simm.s32 $0x1B8B  }
0xa8: {  	_ =	swait.ge [sflag:s23], $0x1  }
0xa9: {  	[sflag:s23] =	ssyncset.done $0x0  }
0xaa: {  	s25 =	simm.s32 $0x1B8E;
	s24 =	sld [smem:$0x3FFE];
	[sflag:s23] =	ssyncadd.s32 $0xFFFFFFFF  }
0xab: {  	s26 =	simm.s32 $execute0_lowered;
	[smem:$0x3FD2] =	sst s25  }
0xac: {  	s6 =	sshll.u32 s26, $0x1;
	_ =	strace $0x80000049;
	[dreg:$0x1] =	wrdreg $0xFFFFFFFF  }
0xad: {  	s28 =	simm.s32 $_size_execute0_lowered;
	s4 =	sadd.s32 s4, s6;
	[dreg:$0x0] =	wrdreg $0x0  }
0xae: {  	s6 =	sshll.u32 s28, $0x1;
	[dreg:$0x2] =	wrdreg s4  }
0xaf: {  	[dreg:$0x3] =	wrdreg s6  }
0xb0: {  	[dreg:$0x4] =	wrdreg $0xC0  }
0xb1: {  	_ =	task [dreg:s8], $0x5FFFF  }
0xb2: {  	[dreg:$0x1] =	wrdreg $0xFFFFFFFF  }
0xb3: {  	[dreg:$0x0] =	wrdreg $0x60  }
0xb4: {  	[dreg:$0x2] =	wrdreg s17  }
0xb5: {  	[dreg:$0x3] =	wrdreg s16  }
0xb6: {  	[dreg:$0x4] =	wrdreg s24  }
0xb7: {  	[dreg:$0x5] =	wrdreg $0x9  }
0xb8: {  	_ =	task.clear_ibuf [dreg:s8], $0x6FFFF;
	_ =	strace $0x90000049  }
0xb9: {  	s29 =	simm.s32 $0x9;
	_ =	strace $0x8000004B  }
0xba: {  	_ =	swait.ge [sflag:s29], $0x1  }
0xbb: {  	[sflag:s29] =	ssyncadd.s32 $0xFFFFFFFF  }
0xbc: {  	_ =	strace $0x9000004B  }
0xbd: {  	_ =	sfence  }
0xbe: {  	s30 =	sld [smem:$0x0];
	_ =	sdelay $0x2  }
0xbf: {  	s31 =	sshll.u32 s1, $0xD;
	s1 =	sshrl.u32 s1, $0x2  }
0xc0: {  	s3 =	sand.u32 $0x4000, s31;
	s1 =	sadd.s32 s1, s30  }
0xc1: {  	s0 =	sor.u32 s3, s0;
	s1 =	sshll.u32 s1, $0x11  }
0xc2: {  	s0 =	sor.u32 s1, s0  }
0xc3: {  	s0 =	sadd.s32 $0x8F2B, s0  }
0xc4: {  	[sflag:s0] =	ssyncadd.remote.s32 $0x1  }
0xc5: {  	_ =	sfence.sel $0xFFFF  }
0xc6: {  	[dreg:$0x0] =	wrdreg $0xFFFFFFFF;
	(pc) =	sbr.abs _section_cstart, $3  }
0xc7: {  	[dreg:$0x1] =	wrdreg $0xFFFFFFFF  }
0xc8: {  	_ =	task.clear_ibuf [dreg:s8], $0x2FFFF;
	_ =	strace $0x9FFFFFFF  }
0xc9: {  	(tm) =	ssettm $0x7FFFFFFF  }
tec
execute0_lowered:
.L_overlay_start_1:
0x0: {  	(tag) =	ssettag $0x1  }
0x1: {  	s2 =	rddreg [dreg:$0x0]  }
0x2: {  	s3 =	rddreg [dreg:$0x1];
	s0 =	srdreg.scid  }
0x3: {  	s4 =	rddreg [dreg:$0x2];
	s1 =	stileid.u32  }
0x4: {  	s5 =	sshll.u32 s0, $0x4;
	s0 =	rddreg [dreg:$0x3];
	_ =	strace $0x8000004A  }
.Ltmp0:
0x5: {  	s6 =	sand.u32 $0x10, s5;
	s5 =	simm.s32 $0x1;
	(pc) =	sbr.rel .LBB2_1-.Ltmp0, $4  }
0x6: {  	s7 =	simm.s32 $0x2;
	s6 =	sor.u32 s1, s6;
	[sflag:s5] =	ssyncpa.u1 $0x0  }
0x7: {  	s9 =	simm.s32 $0x3;
	s6 =	smul.u32 $0x180, s6;
	[sflag:s7] =	ssyncpa.u1 $0x0  }
0x8: {  	s12 =	simm.s32 $0x0;
	s10 =	simm.s32 $0x0;
	[sflag:s9] =	ssyncpa.u1 $0x0  }
0x9: {  	vm0 =	vmmov $0xff;
	vm1 =	vcmask $0x3F20;
	s9 =	simm.s32 $0x180;
	s8 =	sadd.s32 $0x180, s6;
	s11 =	smov.u32 s6  }
.LBB2_10:
0xa: {  	s12 =	sshrl.u32 s11, $0x3  }
0xb: {  	s13 =	sand.u32 $0x7, s11;
	s12 =	sadd.s32 s3, s12  }
0xc: {  	[tilespmem:s9], [sflag:$0x2] =	stream.linear.gather [hbm4b:s12+s13], $0x180, $0x38;
	[tilespmem:$0x18300] =	vst v63  }
.LBB2_8:
0xd: {  	s12 =	sadd.s32 $0x180, s11  }
0xe: {  	s13 =	smov.u32 s6;
	p0 =	slt.s32 s12, s8  }
0xf: {  	s13 =	smov.u32 @p0 s12  }
0x10: {  	s10 =	sadd.s32 $0x1, s10;
	s12 =	smov.u32 s11;
	s11 =	smov.u32 s13  }
.LBB2_1:
0x11: {  	p0 =	seq.s32 s10, $0x0  }
.Ltmp1:
0x12: {  	_ = 	snop;
	(pc) =	sbr.rel @p0 .LBB2_10-.Ltmp1, $1  }
0x13: {  	_ =	sdelay $0x3  }
0x14: {  	p0 =	seq.s32 s10, $0x1  }
.Ltmp2:
0x15: {  	_ = 	snop;
	(pc) =	sbr.rel @!p0 .LBB2_9-.Ltmp2, $1  }
0x16: {  	_ =	sdelay $0x3  }
0x17: {  	_ =	swait.ge [sflag:s7], $0x180  }
0x18: {  	[sflag:s7] =	ssyncset.done $0x0  }
0x19: {  	s13 =	simm.s32 $0x0;
	[sflag:s7] =	ssyncadd.s32 $0xFFFFFE80  }
0x1a: {  	v0 =	vld.msk [tilespmem:s13+$0x180 ss:$0x1], $0xffff;
	_ =	sdelay $0x4  }
0x1b: {  	vm2 =	vgt.s32 v0, $0x0  }
0x1c: {  	v0 =	vnsel vm2, $0x0, v0  }
0x1d: {  	v0 =	vmin.u32 v0, $0x3FFF  }
0x1e: {  	v0 =	vshll.u32 v0, $0x4;
	_ =	sdelay $0x3  }
0x1f: {  	s13 =	simm.s32 $0xC300  }
0x20: {  	[tilespmem:s13], [sflag:$0x1] =	stream.indirect_vreg.gather [hbm:s2], $0x80, v0, vm0, $0x38;
	[tilespmem:$0x18300] =	vst v63  }
0x21: {  	s14 =	simm.s32 $0xC700;
	s31 =	simm.s32 $0x10  }
0x22: {  	[tilespmem:s14], [sflag:$0x1] =	stream.indirect_vreg.gather [hbm:s2], $0x80, v0, vm1, $0x38;
	[tilespmem:$0x18300] =	vst v63  }
0x23: {  	s14 =	simm.s32 $0x80;
	v0 =	vld.msk [tilespmem:s31+$0x180 ss:$0x1], $0xffff  }
.LBB2_4:
0x24: {  	p0 =	sne.s32 s14, $0x5C0;
	_ =	sdelay $0x4  }
0x25: {  	vm2 =	vgt.s32 v0, $0x0  }
0x26: {  	v0 =	vnsel vm2, $0x0, v0  }
0x27: {  	v0 =	vmin.u32 v0, $0x3FFF  }
0x28: {  	v0 =	vshll.u32 v0, $0x4;
	_ =	sdelay $0x3  }
.Ltmp3:
0x29: {  	s13 =	sadd.s32 $0x800, s13;
	(pc) =	sbr.rel @p0 .LBB2_4-.Ltmp3, $4  }
0x2a: {  	[tilespmem:s13], [sflag:$0x1] =	stream.indirect_vreg.gather [hbm:s2], $0x80, v0, vm0, $0x38;
	[tilespmem:$0x18300] =	vst v63  }
0x2b: {  	s15 =	sshra.s32 s14, $0x2;
	s16 =	sadd.s32 $0x400, s13  }
0x2c: {  	[tilespmem:s16], [sflag:$0x1] =	stream.indirect_vreg.gather [hbm:s2], $0x80, v0, vm1, $0x38;
	[tilespmem:$0x18300] =	vst v63  }
0x2d: {  	s14 =	sadd.s32 $0x40, s14;
	v0 =	vld.msk [tilespmem:s15+$0x180 ss:$0x1], $0xffff  }
0x2e: {  	_ =	sdelay $0x3  }
0x2f: {  	vm2 =	vgt.s32 v0, $0x0  }
0x30: {  	v0 =	vnsel vm2, $0x0, v0  }
0x31: {  	v0 =	vmin.u32 v0, $0x3FFF  }
0x32: {  	v0 =	vshll.u32 v0, $0x4;
	_ =	sdelay $0x3  }
0x33: {  	s13 =	sadd.s32 $0x800, s13  }
0x34: {  	[tilespmem:s13], [sflag:$0x1] =	stream.indirect_vreg.gather [hbm:s2], $0x80, v0, vm0, $0x38;
	[tilespmem:$0x18300] =	vst v63  }
0x35: {  	s13 =	sadd.s32 $0x400, s13  }
0x36: {  	[tilespmem:s13], [sflag:$0x1] =	stream.indirect_vreg.gather [hbm:s2], $0x80, v0, vm1, $0x38;
	[tilespmem:$0x18300] =	vst v63  }
0x37: {  	s12 =	sshll.u32 s12, $0x4;
	s14 =	simm.s32 $0x80;
	_ =	swait.ge [sflag:s5], $0xC000  }
0x38: {  	s15 =	simm.s32 $0xC700;
	s12 =	sadd.s32 s12, s4;
	[sflag:s5] =	ssyncset.done $0x0  }
0x39: {  	s16 =	sadd.s32 $0x0, s12;
	s13 =	simm.s32 $0xC300;
	[sflag:s5] =	ssyncadd.s32 $0xFFFF4000  }
.LBB2_6:
0x3a: {  	[hbm:s16] =	stream.linear.scatter [tilespmem:s13], [sflag:$0x3], $0x400, $0x38;
	[tilespmem:$0x18300] =	vst v63  }
0x3b: {  	s16 =	smov.u32 s14;
	s13 =	smov.u32 s15;
	p0 =	seq.s32 s14, $0x1780  }
.Ltmp4:
0x3c: {  	s14 =	sadd.s32 $0x80, s14;
	(pc) =	sbr.rel @!p0 .LBB2_6-.Ltmp4, $2  }
0x3d: {  	_ =	sdelay $0x2  }
0x3e: {  	s15 =	sadd.s32 $0x400, s15;
	s16 =	sadd.s32 s16, s12  }
.Ltmp5:
0x3f: {  	(pc) =	sbr.rel .LBB2_8-.Ltmp5, $2  }
0x40: {  	_ =	sdelay $0x2  }
0x41: {  	[hbm:s16] =	stream.linear.scatter [tilespmem:s13], [sflag:$0x3], $0x400, $0x38;
	[tilespmem:$0x18300] =	vst v63  }
.LBB2_9:
0x42: {  	s2 =	simm.s32 $0x3  }
0x43: {  	_ =	swait.ge [sflag:s2], $0xC000  }
0x44: {  	[sflag:s2] =	ssyncset.done $0x0  }
0x45: {  	[sflag:s2] =	ssyncadd.s32 $0xFFFF4000  }
0x46: {  	_ =	sfence.sel $0x180000  }
0x47: {  	s3 =	simm.s32 $0x2;
	[bflag:$0x0] =	sbarrier.arrive $0xFFFF  }
0x48: {  	[sflag:s3] =	ssyncpa.u1 $0x1  }
0x49: {  	s31 =	simm.s32 $0x1;
	[sflag:s2] =	ssyncpa.u1 $0x1  }
0x4a: {  	[sflag:s31] =	ssyncpa.u1 $0x1  }
0x4b: {  	p0 =	sne.s32 s1, $0x0;
	_ =	strace $0x9000004A  }
0x4c: {  	s0 =	sadd.s32 @!p0 $0x100000, s0;
	[bflag:$0x2] =	sbarrier.arrive $0xFFFF  }
0x4d: {  	[sflag:s0] =	ssyncadd.tile.s32 @!p0 $0x1;
	_ =	shalt  }
.Lfunc_end2:
_tile_overlayer_lowered:
.L_overlay_start_2:
0x4e: {  	(tag) =	ssettag $0x2  }
0x4f: {  	s0 =	rddreg [dreg:$0x0];
	s2 =	stileid.u32  }
0x50: {  	s1 =	rddreg [dreg:$0x1];
	p0 =	sne.s32 s2, $0x0  }
0x51: {  	s3 =	rddreg [dreg:$0x2];
	[bflag:$0x3] =	sbarrier.arrive $0xFFFF;
	s2 =	simm.s32 @!p0 $0x1C01  }
0x52: {  	[timem:s3], [sflag:s2] =	dma.local @!p0 [hbm:s0], s1  }
0x53: {  	s0 =	simm.s32 @!p0 $0x1  }
0x54: {  	_ =	swait.ge @!p0 [sflag:s0], s1  }
0x55: {  	s1 =	ssub.s32 @!p0 $0x0, s1;
	[sflag:s0] =	ssyncset.done @!p0 $0x0  }
0x56: {  	[sflag:s0] =	ssyncadd.s32 @!p0 s1  }
0x57: {  	[bflag:$0x3] =	sbarrier.arrive $0xFFFF  }
0x58: {  	_ =	shalt  }

// kernel: gather_offload_async_start
scs
__scs_entry_jumppad:
0x0: {  	(pc) =	sbr.rel $0x88, $3  }
0x1: {  	(tag) =	ssettag $0x0;
	lr =	simm.s32 $0x1  }
0x2: {  	[smem:$0x3F9F] =	sst lr;
	_ =	strace $0xD0000000  }
0x3: {  	_ = 	snop  }
0x4: {  	_ = 	snop  }
0x5: {  	_ = 	snop  }
0x6: {  	_ = 	snop  }
0x7: {  	_ = 	snop  }
__scs_overlays_trampoline_lowered:
0x8: {  	[smem:$0x3FAE] =	sst s0  }
0x9: {  	[smem:$0x3FAF] =	sst s1  }
0xa: {  	[smem:$0x3FB0] =	sst s2  }
0xb: {  	[smem:$0x3FB1] =	sst s3  }
0xc: {  	[smem:$0x3FB2] =	sst s4  }
0xd: {  	[smem:$0x3FB3] =	sst s5  }
0xe: {  	[smem:$0x3FB4] =	sst s6  }
0xf: {  	[smem:$0x3FB5] =	sst s7  }
0x10: {  	[smem:$0x3FB6] =	sst s8  }
0x11: {  	[smem:$0x3FB7] =	sst s9;
	s0 =	simm.s32 @!p0 $0x0  }
0x12: {  	s1 =	sld [smem:$0x3F9D];
	s0 =	simm.s32 @p0 $0x1  }
0x13: {  	[smem:$0x3FB8] =	sst s0;
	s0 =	simm.s32 @!p1 $0x0  }
0x14: {  	s2 =	sld [smem:$0x3F9C];
	s0 =	simm.s32 @p1 $0x1  }
0x15: {  	[smem:$0x3FB9] =	sst s0;
	s0 =	simm.s32 @!p2 $0x0  }
0x16: {  	s3 =	sld [smem:$0x3FDB];
	s0 =	simm.s32 @p2 $0x1  }
0x17: {  	s4 =	simm.s32 $0x1BF5;
	[smem:$0x3FBB] =	sst s0  }
0x18: {  	s0 =	sld [smem:$0x3F9E];
	_ =	swait.ge [sflag:s4], $0x0  }
0x19: {  	s7 =	sld [smem:$0x3F9F]  }
0x1a: {  	s8 =	sadd.s32 $0xFFFFE003, lr  }
0x1b: {  	s9 =	sadd.s32 $0xFFFFFEF7, lr;
	s5 =	simm.s32 $0xFFFFFFFF;
	p2 =	slt.u32 s8, $0xFFFFF086  }
0x1c: {  	p1 =	slt.u32 s9, $0xF7A;
	s5 =	simm.s32 @!p2 $0x0  }
0x1d: {  	s5 =	simm.s32 @p1 $0x1;
	p0 =	seq.s32 s7, s2  }
0x1e: {  	s7 =	smul.u32 @!p0 $0xF7A, s2;
	p2 =	seq.s32 @!p0 s5, $0x0  }
0x1f: {  	s9 =	smul.u32 $0xF7A, s1;
	s8 =	simm.s32 @!p0 $0x1BF5;
	p2 =	por !p2, p0  }
0x20: {  	[sflag:s8] =	ssyncset.s32 @!p0 $0xFFFFF086;
	s6 =	sadd.s32 @!p0 s3, s7;
	s7 =	simm.s32 @!p0 $0x108  }
0x21: {  	s3 =	sadd.s32 s3, s9;
	s6 =	sadd.s32 @!p0 $0x88, s6;
	s7 =	simm.s32 @p2 $0x1082  }
0x22: {  	[simem:s7], [sflag:s8] =	dma.local @!p0 [hbm:s6], $0xF7A  }
0x23: {  	s9 =	sor.u32 $0xD0000000, s2;
	s6 =	simm.s32 $0x108;
	_ =	swait.ge @!p0 [sflag:s8], $0x0  }
0x24: {  	s3 =	sadd.s32 $0x88, s3;
	s6 =	simm.s32 @!p1 $0x1082;
	[sflag:s4] =	ssyncset.s32 $0xFFFFF086  }
0x25: {  	[simem:s6], [sflag:s4] =	dma.local [hbm:s3], $0xF7A  }
0x26: {  	[smem:$0x3F9F] =	sst s1;
	(tag) =	ssettag s2;
	_ =	strace s9  }
0x27: {  	s1 =	sld [smem:$0x3FAF]  }
0x28: {  	s2 =	sld [smem:$0x3FB0]  }
0x29: {  	s4 =	sld [smem:$0x3FB2]  }
0x2a: {  	p0 =	seq.s32 s5, $0x0;
	s5 =	sld [smem:$0x3FB3]  }
0x2b: {  	s6 =	sld [smem:$0x3FB4]  }
0x2c: {  	s7 =	sld [smem:$0x3FB5]  }
0x2d: {  	s3 =	simm.s32 $0x108;
	s8 =	sld [smem:$0x3FB6]  }
0x2e: {  	s3 =	simm.s32 @!p0 $0x1082;
	s9 =	sld [smem:$0x3FB7]  }
0x2f: {  	lr =	sadd.s32 s0, s3;
	s0 =	sld [smem:$0x3FAE]  }
0x30: {  	s3 =	sld [smem:$0x3FB1]  }
0x31: {  	[smem:$0x3FBA] =	sst s10  }
0x32: {  	s10 =	sld [smem:$0x3FB8];
	_ =	sdelay $0x3  }
0x33: {  	p0 =	seq.s32 s10, $0x1;
	s10 =	sld [smem:$0x3FBA];
	_ =	sdelay $0x3  }
0x34: {  	[smem:$0x3FBA] =	sst s10  }
0x35: {  	s10 =	sld [smem:$0x3FB9];
	_ =	sdelay $0x3  }
0x36: {  	p1 =	seq.s32 s10, $0x1;
	s10 =	sld [smem:$0x3FBA];
	_ =	sdelay $0x3  }
0x37: {  	[smem:$0x3FBA] =	sst s10  }
0x38: {  	s10 =	sld [smem:$0x3FBB]  }
0x39: {  	_ = 	snop;
	(pc) =	sbr.ind lr, $3  }
0x3a: {  	_ = 	snop  }
0x3b: {  	_ = 	snop  }
0x3c: {  	p2 =	seq.s32 s10, $0x1;
	s10 =	sld [smem:$0x3FBA]  }
0x3d: {  	_ =	shalt  }
0x3e: {  	_ =	shalt  }
0x3f: {  	_ =	shalt  }
0x40: {  	_ =	shalt  }
0x41: {  	_ =	shalt  }
0x42: {  	_ =	shalt  }
0x43: {  	_ =	shalt  }
0x44: {  	_ =	shalt  }
0x45: {  	_ =	shalt  }
0x46: {  	_ =	shalt  }
0x47: {  	_ =	shalt  }
0x48: {  	_ =	shalt  }
0x49: {  	_ =	shalt  }
0x4a: {  	_ =	shalt  }
0x4b: {  	_ =	shalt  }
0x4c: {  	_ =	shalt  }
0x4d: {  	_ =	shalt  }
0x4e: {  	_ =	shalt  }
0x4f: {  	_ =	shalt  }
0x50: {  	_ =	shalt  }
0x51: {  	_ =	shalt  }
0x52: {  	_ =	shalt  }
0x53: {  	_ =	shalt  }
0x54: {  	_ =	shalt  }
0x55: {  	_ =	shalt  }
0x56: {  	_ =	shalt  }
0x57: {  	_ =	shalt  }
0x58: {  	_ =	shalt  }
0x59: {  	_ =	shalt  }
0x5a: {  	_ =	shalt  }
0x5b: {  	_ =	shalt  }
0x5c: {  	_ =	shalt  }
0x5d: {  	_ =	shalt  }
0x5e: {  	_ =	shalt  }
0x5f: {  	_ =	shalt  }
0x60: {  	_ =	shalt  }
0x61: {  	_ =	shalt  }
0x62: {  	_ =	shalt  }
0x63: {  	_ =	shalt  }
0x64: {  	_ =	shalt  }
0x65: {  	_ =	shalt  }
0x66: {  	_ =	shalt  }
0x67: {  	_ =	shalt  }
0x68: {  	_ =	shalt  }
0x69: {  	_ =	shalt  }
0x6a: {  	_ =	shalt  }
0x6b: {  	_ =	shalt  }
0x6c: {  	_ =	shalt  }
0x6d: {  	_ =	shalt  }
0x6e: {  	_ =	shalt  }
0x6f: {  	_ =	shalt  }
0x70: {  	_ =	shalt  }
0x71: {  	_ =	shalt  }
0x72: {  	_ =	shalt  }
0x73: {  	_ =	shalt  }
0x74: {  	_ =	shalt  }
0x75: {  	_ =	shalt  }
0x76: {  	_ =	shalt  }
0x77: {  	_ =	shalt  }
0x78: {  	_ =	shalt  }
0x79: {  	_ =	shalt  }
0x7a: {  	_ =	shalt  }
0x7b: {  	_ =	shalt  }
0x7c: {  	_ =	shalt  }
0x7d: {  	_ =	shalt  }
0x7e: {  	_ =	shalt  }
0x7f: {  	_ =	shalt  }
0x80: {  	_ =	shalt  }
0x81: {  	_ =	shalt  }
0x82: {  	_ =	shalt  }
0x83: {  	_ =	shalt  }
0x84: {  	_ =	shalt  }
0x85: {  	_ =	shalt  }
0x86: {  	_ =	shalt  }
0x87: {  	_ =	shalt  }
.Lfunc_end0:
.L_simem_size_0:
called_computation_lowered:
.L_overlay_start_0:
0x88: {  	s2 =	sld [smem:$0x3FD9]  }
0x89: {  	s3 =	sld [smem:$0x3FFE];
	_ =	sdelay $0x1  }
0x8a: {  	s1 =	srdreg.scid  }
0x8b: {  	s0 =	sand.u32 $0x1, s1  }
0x8c: {  	s14 =	sshll.u32 s0, $0xA;
	s2 =	sadd.s32 s3, s2  }
0x8d: {  	s2 =	sadd.s32 s2, s14  }
0x8e: {  	[smem:$0x3FC6] =	sst s2  }
0x8f: {  	_ = 	snop  }
0x90: {  	s2 =	sld [smem:$0x3FD0];
	_ =	sdelay $0x2  }
0x91: {  	s15 =	simm.s32 $0xA;
	s4 =	simm.s32 $0x10  }
0x92: {  	[smem:s4], [sflag:s15] =	dma.local [hbm:s2], $0x1  }
0x93: {  	_ =	swait.eq [sflag:s15], $0x1  }
0x94: {  	[sflag:s15] =	ssyncset.done $0x0  }
0x95: {  	s16 =	sld [smem:$0x14];
	[sflag:s15] =	ssyncadd.s32 $0xFFFFFFFF  }
0x96: {  	s17 =	sld [smem:$0x15];
	(tm) =	ssettm $0x1  }
0x97: {  	s18 =	sld [smem:$0x3FFB];
	_ =	sdelay $0x3  }
0x98: {  	_ =	strace s18  }
0x99: {  	s4 =	sld [smem:$0x3FFC];
	_ =	sdelay $0x3  }
0x9a: {  	_ =	strace s4  }
0x9b: {  	s4 =	sld [smem:$0x3FFD];
	_ =	sdelay $0x3  }
0x9c: {  	_ =	strace s4  }
0x9d: {  	_ =	strace $0x8FFFFFFF  }
0x9e: {  	s19 =	sld [smem:$0x3FDB];
	_ =	sdelay $0x1  }
0x9f: {  	s5 =	simm.s32 $_scs_section_size  }
0xa0: {  	s6 =	simm.s32 $_size__tile_overlayer_lowered;
	s7 =	simm.s32 $_tile_overlayer_lowered  }
0xa1: {  	s22 =	simm.s32 $0x1BFF;
	s21 =	sshll.u32 s7, $0x1;
	s4 =	sadd.s32 s5, s19  }
0xa2: {  	s8 =	simm.s32 $0x0;
	s20 =	sshll.u32 s6, $0x1;
	s6 =	sadd.s32 s21, s4  }
0xa3: {  	[timem:s8], [sflag:s22] =	dma.local [hbm:s6], s20  }
0xa4: {  	_ =	swait.ge [sflag:s22], s20  }
0xa5: {  	s5 =	ssub.s32 $0x0, s20;
	[sflag:s22] =	ssyncset.done $0x0  }
0xa6: {  	[sflag:s22] =	ssyncadd.s32 s5;
	_ =	sdelay $0x1  }
0xa7: {  	s23 =	simm.s32 $0x1B8B  }
0xa8: {  	_ =	swait.ge [sflag:s23], $0x1  }
0xa9: {  	[sflag:s23] =	ssyncset.done $0x0  }
0xaa: {  	s25 =	simm.s32 $0x1B8E;
	s24 =	sld [smem:$0x3FFE];
	[sflag:s23] =	ssyncadd.s32 $0xFFFFFFFF  }
0xab: {  	s26 =	simm.s32 $execute0_lowered;
	[smem:$0x3FD2] =	sst s25  }
0xac: {  	s6 =	sshll.u32 s26, $0x1;
	_ =	strace $0x80000046;
	[dreg:$0x1] =	wrdreg $0xFFFFFFFF  }
0xad: {  	s28 =	simm.s32 $_size_execute0_lowered;
	s4 =	sadd.s32 s4, s6;
	[dreg:$0x0] =	wrdreg $0x0  }
0xae: {  	s6 =	sshll.u32 s28, $0x1;
	[dreg:$0x2] =	wrdreg s4  }
0xaf: {  	[dreg:$0x3] =	wrdreg s6  }
0xb0: {  	[dreg:$0x4] =	wrdreg $0xC0  }
0xb1: {  	_ =	task [dreg:s8], $0x5FFFF  }
0xb2: {  	[dreg:$0x1] =	wrdreg $0xFFFFFFFF  }
0xb3: {  	[dreg:$0x0] =	wrdreg $0x60  }
0xb4: {  	[dreg:$0x2] =	wrdreg s16  }
0xb5: {  	[dreg:$0x3] =	wrdreg s17  }
0xb6: {  	[dreg:$0x4] =	wrdreg s24  }
0xb7: {  	[dreg:$0x5] =	wrdreg $0x9  }
0xb8: {  	_ =	task.clear_ibuf [dreg:s8], $0x6FFFF;
	_ =	strace $0x90000046  }
0xb9: {  	s29 =	simm.s32 $0x9;
	_ =	strace $0x80000048  }
0xba: {  	_ =	swait.ge [sflag:s29], $0x1  }
0xbb: {  	[sflag:s29] =	ssyncadd.s32 $0xFFFFFFFF  }
0xbc: {  	_ =	strace $0x90000048  }
0xbd: {  	_ =	sfence  }
0xbe: {  	s30 =	sld [smem:$0x0];
	_ =	sdelay $0x2  }
0xbf: {  	s31 =	sshll.u32 s1, $0xD;
	s1 =	sshrl.u32 s1, $0x2  }
0xc0: {  	s3 =	sand.u32 $0x4000, s31;
	s1 =	sadd.s32 s1, s30  }
0xc1: {  	s0 =	sor.u32 s3, s0;
	s1 =	sshll.u32 s1, $0x11  }
0xc2: {  	s0 =	sor.u32 s1, s0  }
0xc3: {  	s0 =	sadd.s32 $0x8F2B, s0  }
0xc4: {  	[sflag:s0] =	ssyncadd.remote.s32 $0x1  }
0xc5: {  	_ =	sfence.sel $0xFFFF  }
0xc6: {  	[dreg:$0x0] =	wrdreg $0xFFFFFFFF;
	(pc) =	sbr.abs _section_cstart, $3  }
0xc7: {  	[dreg:$0x1] =	wrdreg $0xFFFFFFFF  }
0xc8: {  	_ =	task.clear_ibuf [dreg:s8], $0x2FFFF;
	_ =	strace $0x9FFFFFFF  }
0xc9: {  	(tm) =	ssettm $0x7FFFFFFF  }
tec
execute0_lowered:
.L_overlay_start_1:
0x0: {  	(tag) =	ssettag $0x1  }
0x1: {  	s2 =	rddreg [dreg:$0x0]  }
0x2: {  	s3 =	rddreg [dreg:$0x1]  }
0x3: {  	s4 =	rddreg [dreg:$0x2]  }
0x4: {  	s0 =	rddreg [dreg:$0x3];
	s1 =	srdreg.scid  }
0x5: {  	_ =	strace $0x80000047;
	s5 =	simm.s32 $0x1;
	s6 =	sshll.u32 s1, $0x4  }
.Ltmp0:
0x6: {  	s1 =	stileid.u32;
	s6 =	sand.u32 $0x10, s6;
	(pc) =	sbr.rel .LBB2_1-.Ltmp0, $4  }
0x7: {  	s9 =	simm.s32 $0x3;
	s12 =	simm.s32 $0x0;
	s7 =	sor.u32 s1, s6  }
0x8: {  	[sflag:s5] =	ssyncpa.u1 $0x0;
	s6 =	simm.s32 $0x2;
	s7 =	sshll.u32 s7, $0x7  }
0x9: {  	s10 =	simm.s32 $0x0;
	[sflag:s6] =	ssyncpa.u1 $0x0;
	s8 =	sadd.s32 $0x80, s7  }
0xa: {  	vm0 =	vmmov $0xff;
	vm1 =	vcmask $0x3F20;
	[sflag:s9] =	ssyncpa.u1 $0x0;
	s9 =	simm.s32 $0x80;
	s11 =	smov.u32 s7  }
.LBB2_9:
0xb: {  	p0 =	seq.s32 s10, $0x2  }
.Ltmp1:
0xc: {  	_ = 	snop;
	(pc) =	sbr.rel @p0 .LBB2_11-.Ltmp1, $1  }
0xd: {  	_ =	sdelay $0x3  }
.LBB2_10:
0xe: {  	s12 =	sadd.s32 $0x80, s11  }
0xf: {  	s13 =	smov.u32 s7;
	p0 =	slt.s32 s12, s8  }
0x10: {  	s13 =	smov.u32 @p0 s12  }
0x11: {  	s10 =	sadd.s32 $0x1, s10;
	s12 =	smov.u32 s11;
	s11 =	smov.u32 s13  }
.LBB2_1:
0x12: {  	p0 =	sne.s32 s10, $0x0  }
.Ltmp2:
0x13: {  	_ = 	snop;
	(pc) =	sbr.rel @!p0 .LBB2_2-.Ltmp2, $1  }
0x14: {  	_ =	sdelay $0x3  }
0x15: {  	s13 =	sand.u32 $0x1, s10  }
0x16: {  	p0 =	seq.s32 s13, $0x0  }
.Ltmp3:
0x17: {  	_ = 	snop;
	(pc) =	sbr.rel @p0 .LBB2_9-.Ltmp3, $1  }
0x18: {  	_ =	sdelay $0x3  }
0x19: {  	_ =	swait.ge [sflag:s6], $0x80  }
0x1a: {  	[sflag:s6] =	ssyncset.done $0x0  }
0x1b: {  	s13 =	simm.s32 $0x0;
	[sflag:s6] =	ssyncadd.s32 $0xFFFFFF80  }
0x1c: {  	v0 =	vld.msk [tilespmem:s13+$0x80 ss:$0x1], $0xffff;
	_ =	sdelay $0x4  }
0x1d: {  	vm2 =	vgt.s32 v0, $0x0  }
0x1e: {  	v0 =	vnsel vm2, $0x0, v0  }
0x1f: {  	v0 =	vmin.u32 v0, $0x3FFF  }
0x20: {  	v0 =	vshll.u32 v0, $0x4;
	_ =	sdelay $0x3  }
0x21: {  	s13 =	simm.s32 $0x4100  }
0x22: {  	[tilespmem:s13], [sflag:$0x1] =	stream.indirect_vreg.gather [hbm:s2], $0x80, v0, vm0, $0x38;
	[tilespmem:$0x8100] =	vst v63  }
0x23: {  	s14 =	simm.s32 $0x4500;
	s31 =	simm.s32 $0x10  }
0x24: {  	[tilespmem:s14], [sflag:$0x1] =	stream.indirect_vreg.gather [hbm:s2], $0x80, v0, vm1, $0x38;
	[tilespmem:$0x8100] =	vst v63  }
0x25: {  	s14 =	simm.s32 $0x80;
	v0 =	vld.msk [tilespmem:s31+$0x80 ss:$0x1], $0xffff  }
.LBB2_5:
0x26: {  	p0 =	sne.s32 s14, $0x1C0;
	_ =	sdelay $0x4  }
0x27: {  	vm2 =	vgt.s32 v0, $0x0  }
0x28: {  	v0 =	vnsel vm2, $0x0, v0  }
0x29: {  	v0 =	vmin.u32 v0, $0x3FFF  }
0x2a: {  	v0 =	vshll.u32 v0, $0x4;
	_ =	sdelay $0x3  }
.Ltmp4:
0x2b: {  	s13 =	sadd.s32 $0x800, s13;
	(pc) =	sbr.rel @p0 .LBB2_5-.Ltmp4, $4  }
0x2c: {  	[tilespmem:s13], [sflag:$0x1] =	stream.indirect_vreg.gather [hbm:s2], $0x80, v0, vm0, $0x38;
	[tilespmem:$0x8100] =	vst v63  }
0x2d: {  	s15 =	sshra.s32 s14, $0x2;
	s16 =	sadd.s32 $0x400, s13  }
0x2e: {  	[tilespmem:s16], [sflag:$0x1] =	stream.indirect_vreg.gather [hbm:s2], $0x80, v0, vm1, $0x38;
	[tilespmem:$0x8100] =	vst v63  }
0x2f: {  	s14 =	sadd.s32 $0x40, s14;
	v0 =	vld.msk [tilespmem:s15+$0x80 ss:$0x1], $0xffff  }
0x30: {  	_ =	sdelay $0x3  }
0x31: {  	vm2 =	vgt.s32 v0, $0x0  }
0x32: {  	v0 =	vnsel vm2, $0x0, v0  }
0x33: {  	v0 =	vmin.u32 v0, $0x3FFF  }
0x34: {  	v0 =	vshll.u32 v0, $0x4;
	_ =	sdelay $0x3  }
0x35: {  	s13 =	sadd.s32 $0x800, s13  }
0x36: {  	[tilespmem:s13], [sflag:$0x1] =	stream.indirect_vreg.gather [hbm:s2], $0x80, v0, vm0, $0x38;
	[tilespmem:$0x8100] =	vst v63  }
0x37: {  	s13 =	sadd.s32 $0x400, s13  }
0x38: {  	[tilespmem:s13], [sflag:$0x1] =	stream.indirect_vreg.gather [hbm:s2], $0x80, v0, vm1, $0x38;
	[tilespmem:$0x8100] =	vst v63  }
0x39: {  	s12 =	sshll.u32 s12, $0x4;
	s14 =	simm.s32 $0x80;
	_ =	swait.ge [sflag:s5], $0x4000  }
0x3a: {  	s15 =	simm.s32 $0x4500;
	s12 =	sadd.s32 s12, s4;
	[sflag:s5] =	ssyncset.done $0x0  }
0x3b: {  	s16 =	sadd.s32 $0x0, s12;
	s13 =	simm.s32 $0x4100;
	[sflag:s5] =	ssyncadd.s32 $0xFFFFC000  }
.LBB2_7:
0x3c: {  	[hbm:s16] =	stream.linear.scatter [tilespmem:s13], [sflag:$0x3], $0x400, $0x38;
	[tilespmem:$0x8100] =	vst v63  }
0x3d: {  	s16 =	smov.u32 s14;
	s13 =	smov.u32 s15;
	p0 =	sne.s32 s14, $0x780  }
.Ltmp5:
0x3e: {  	s14 =	sadd.s32 $0x80, s14;
	(pc) =	sbr.rel @p0 .LBB2_7-.Ltmp5, $2  }
0x3f: {  	_ =	sdelay $0x2  }
0x40: {  	s15 =	sadd.s32 $0x400, s15;
	s16 =	sadd.s32 s16, s12  }
.Ltmp6:
0x41: {  	(pc) =	sbr.rel .LBB2_9-.Ltmp6, $2  }
0x42: {  	_ =	sdelay $0x2  }
0x43: {  	[hbm:s16] =	stream.linear.scatter [tilespmem:s13], [sflag:$0x3], $0x400, $0x38;
	[tilespmem:$0x8100] =	vst v63  }
.LBB2_2:
.Ltmp7:
0x44: {  	(pc) =	sbr.rel .LBB2_10-.Ltmp7, $4  }
0x45: {  	_ = 	snop  }
0x46: {  	s12 =	sshrl.u32 s11, $0x3  }
0x47: {  	s13 =	sand.u32 $0x7, s11;
	s12 =	sadd.s32 s3, s12  }
0x48: {  	[tilespmem:s9], [sflag:$0x2] =	stream.linear.gather [hbm4b:s12+s13], $0x80, $0x38;
	[tilespmem:$0x8100] =	vst v63  }
.LBB2_11:
0x49: {  	s2 =	simm.s32 $0x3  }
0x4a: {  	_ =	swait.ge [sflag:s2], $0x4000  }
0x4b: {  	[sflag:s2] =	ssyncset.done $0x0  }
0x4c: {  	[sflag:s2] =	ssyncadd.s32 $0xFFFFC000  }
0x4d: {  	_ =	sfence.sel $0x180000  }
0x4e: {  	s3 =	simm.s32 $0x2;
	[bflag:$0x0] =	sbarrier.arrive $0xFFFF  }
0x4f: {  	[sflag:s3] =	ssyncpa.u1 $0x1  }
0x50: {  	s31 =	simm.s32 $0x1;
	[sflag:s2] =	ssyncpa.u1 $0x1  }
0x51: {  	[sflag:s31] =	ssyncpa.u1 $0x1  }
0x52: {  	p0 =	sne.s32 s1, $0x0;
	_ =	strace $0x90000047  }
0x53: {  	s0 =	sadd.s32 @!p0 $0x100000, s0;
	[bflag:$0x2] =	sbarrier.arrive $0xFFFF  }
0x54: {  	[sflag:s0] =	ssyncadd.tile.s32 @!p0 $0x1;
	_ =	shalt  }
.Lfunc_end2:
_tile_overlayer_lowered:
.L_overlay_start_2:
0x55: {  	(tag) =	ssettag $0x2  }
0x56: {  	s0 =	rddreg [dreg:$0x0];
	s2 =	stileid.u32  }
0x57: {  	s1 =	rddreg [dreg:$0x1];
	p0 =	sne.s32 s2, $0x0  }
0x58: {  	s3 =	rddreg [dreg:$0x2];
	[bflag:$0x3] =	sbarrier.arrive $0xFFFF;
	s2 =	simm.s32 @!p0 $0x1C01  }
0x59: {  	[timem:s3], [sflag:s2] =	dma.local @!p0 [hbm:s0], s1  }
0x5a: {  	s0 =	simm.s32 @!p0 $0x1  }
0x5b: {  	_ =	swait.ge @!p0 [sflag:s0], s1  }
0x5c: {  	s1 =	ssub.s32 @!p0 $0x0, s1;
	[sflag:s0] =	ssyncset.done @!p0 $0x0  }
0x5d: {  	[sflag:s0] =	ssyncadd.s32 @!p0 s1  }
0x5e: {  	[bflag:$0x3] =	sbarrier.arrive $0xFFFF  }
0x5f: {  	_ =	shalt  }

</sc_bundles>
